<compile_context>
chip_gen: v7x
topology: tpu7x:2x2x1
jax: 0.10.2.dev20260603
libtpu: 0.0.44.dev20260713+nightly
codegen_flags: <defaults>
</compile_context>

<pallas_src>
import functools

import jax
import jax.numpy as jnp
from jax import lax
from jax.experimental import pallas as pl
from jax.experimental.pallas import tpu as pltpu
from jax.experimental.pallas import tpu_sc as plsc

N = 10000
M = 32
D = 128
DE = 16
EPS = 1e-5

CH = 80
NCHUNK = (N * M) // CH


NBUF = 5


DW = D // 2


def _sc_gather(table, idx_flat, n_edges):
    info = plsc.get_sparse_core_info()
    nw = info.num_cores * info.num_subcores
    chunks_per_w = n_edges // (nw * CH)
    mesh = plsc.VectorSubcoreMesh(core_axis_name="c", subcore_axis_name="s")

    scratch = [pltpu.VMEM((chunks_per_w * CH,), jnp.int32)]
    scratch += [pltpu.VMEM((CH, D), jnp.float32) for _ in range(NBUF)]
    scratch += [pltpu.SemaphoreType.DMA for _ in range(2 * NBUF)]

    @functools.partial(
        pl.kernel,
        out_type=jax.ShapeDtypeStruct((n_edges, D), jnp.float32),
        mesh=mesh,
        scratch_types=scratch,
    )
    def k(table_hbm, idx_hbm, out_hbm, idx_v, *bufs):
        rows = bufs[:NBUF]
        gsem = bufs[NBUF:2 * NBUF]
        osem = bufs[2 * NBUF:]
        wid = lax.axis_index("s") * info.num_cores + lax.axis_index("c")
        c0 = wid * chunks_per_w

        pltpu.sync_copy(idx_hbm.at[pl.ds(c0 * CH, chunks_per_w * CH)], idx_v)

        def islice(c):
            return idx_v.at[pl.ds(pl.multiple_of(c * CH, CH), CH)]

        for b in range(NBUF):
            pltpu.async_copy(table_hbm.at[islice(b)], rows[b], gsem[b])

        def group(g, carry):
            for b in range(NBUF):
                c = g * NBUF + b
                pltpu.make_async_copy(table_hbm.at[islice(b)], rows[b],
                                      gsem[b]).wait()
                dst = out_hbm.at[pl.ds(pl.multiple_of((c0 + c) * CH, CH), CH)]
                pltpu.async_copy(rows[b], dst, osem[b])
                pltpu.make_async_copy(rows[b], dst, osem[b]).wait()

                @pl.when(c + NBUF < chunks_per_w)
                def _():
                    pltpu.async_copy(table_hbm.at[islice(c + NBUF)],
                                     rows[b], gsem[b])
            return carry

        lax.fori_loop(0, chunks_per_w // NBUF, group, 0)

    return k(table, idx_flat)


BN_A = 400


def _stats_kernel(a_ref, g_ref, e_ref, w_s, w_n, w_e, b_ref, sum_ref, sq_ref):
    i = pl.program_id(0)

    s = jnp.dot(a_ref[...], w_s[...], preferred_element_type=jnp.float32,
                precision=lax.Precision.DEFAULT) + b_ref[...]
    g2 = g_ref[...].reshape(BN_A * M, D)
    pg = jnp.dot(g2, w_n[...], preferred_element_type=jnp.float32,
                 precision=lax.Precision.DEFAULT).reshape(BN_A, M, 2 * D)

    pe = lax.dot_general(
        e_ref[...], w_e[...], (((0,), (0,)), ((), ())),
        preferred_element_type=jnp.float32,
        precision=lax.Precision.DEFAULT).reshape(BN_A, M, 2 * D)
    x = s[:, None, :] + pg + pe

    psum = jnp.sum(x, axis=(0, 1))[None, :]
    psq = jnp.sum(x * x, axis=(0, 1))[None, :]

    @pl.when(i == 0)
    def _():
        sum_ref[...] = jnp.zeros_like(sum_ref)
        sq_ref[...] = jnp.zeros_like(sq_ref)

    sum_ref[...] += psum
    sq_ref[...] += psq


def _stats(atom, g3, nbr, w_s, w_n, w_e, b, off, nblk):
    return pl.pallas_call(
        _stats_kernel,
        grid=(nblk,),
        in_specs=[
            pl.BlockSpec((BN_A, D), lambda i: (i + off, 0)),
            pl.BlockSpec((BN_A, M, D), lambda i: (i, 0, 0)),
            pl.BlockSpec((DE, BN_A * M), lambda i: (0, i + off)),
            pl.BlockSpec((D, 2 * D), lambda i: (0, 0)),
            pl.BlockSpec((D, 2 * D), lambda i: (0, 0)),
            pl.BlockSpec((DE, 2 * D), lambda i: (0, 0)),
            pl.BlockSpec((1, 2 * D), lambda i: (0, 0)),
        ],
        out_specs=[
            pl.BlockSpec((1, 2 * D), lambda i: (0, 0)),
            pl.BlockSpec((1, 2 * D), lambda i: (0, 0)),
        ],
        out_shape=[
            jax.ShapeDtypeStruct((1, 2 * D), jnp.float32),
            jax.ShapeDtypeStruct((1, 2 * D), jnp.float32),
        ],
    )(atom, g3, nbr, w_s, w_n, w_e, b)


BN_B = 400


def _gate_kernel(a_ref, g_ref, e_ref, bw_ref, w_s, w_n, w_e, b_ref,
                 out_ref, sum2_ref, sq2_ref):
    i = pl.program_id(0)

    s = jnp.dot(a_ref[...], w_s[...], preferred_element_type=jnp.float32,
                precision=lax.Precision.DEFAULT) + b_ref[...]
    g2 = g_ref[...].reshape(BN_B * M, D)
    pg = jnp.dot(g2, w_n[...], preferred_element_type=jnp.float32,
                 precision=lax.Precision.DEFAULT).reshape(BN_B, M, 2 * D)
    pe = lax.dot_general(
        e_ref[...], w_e[...], (((0,), (0,)), ((), ())),
        preferred_element_type=jnp.float32,
        precision=lax.Precision.DEFAULT).reshape(BN_B, M, 2 * D)
    y = s[:, None, :] + pg + pe

    filt = 1.0 / (1.0 + jnp.exp(-y[:, :, :D]))
    core = jnp.log1p(jnp.exp(y[:, :, D:]))
    bw = bw_ref[...]
    prod = filt * core * (bw * bw)[:, :, None]
    ns = jnp.sum(prod, axis=1)
    out_ref[...] = ns

    @pl.when(i == 0)
    def _():
        sum2_ref[...] = jnp.zeros_like(sum2_ref)
        sq2_ref[...] = jnp.zeros_like(sq2_ref)

    sum2_ref[...] += jnp.sum(ns, axis=0)[None, :]
    sq2_ref[...] += jnp.sum(ns * ns, axis=0)[None, :]


def _gate(atom, g3, nbr, bw, w_s, w_n, w_e, b, off, nblk):
    return pl.pallas_call(
        _gate_kernel,
        grid=(nblk,),
        in_specs=[
            pl.BlockSpec((BN_B, D), lambda i: (i + off, 0)),
            pl.BlockSpec((BN_B, M, D), lambda i: (i, 0, 0)),
            pl.BlockSpec((DE, BN_B * M), lambda i: (0, i + off)),
            pl.BlockSpec((BN_B, M), lambda i: (i + off, 0)),
            pl.BlockSpec((D, 2 * D), lambda i: (0, 0)),
            pl.BlockSpec((D, 2 * D), lambda i: (0, 0)),
            pl.BlockSpec((DE, 2 * D), lambda i: (0, 0)),
            pl.BlockSpec((1, 2 * D), lambda i: (0, 0)),
        ],
        out_specs=[
            pl.BlockSpec((BN_B, D), lambda i: (i, 0)),
            pl.BlockSpec((1, D), lambda i: (0, 0)),
            pl.BlockSpec((1, D), lambda i: (0, 0)),
        ],
        out_shape=[
            jax.ShapeDtypeStruct((nblk * BN_B, D), jnp.float32),
            jax.ShapeDtypeStruct((1, D), jnp.float32),
            jax.ShapeDtypeStruct((1, D), jnp.float32),
        ],
    )(atom, g3, nbr, bw, w_s, w_n, w_e, b)


BN_C = 2000


def _final_kernel(a_ref, ns_ref, sc_ref, sh_ref, out_ref):
    z = ns_ref[...] * sc_ref[...] + sh_ref[...]
    out_ref[...] = jnp.logaddexp(a_ref[...] + z, 0.0)


def _final(atom, ns, scale2, shift2):
    grid = N // BN_C
    return pl.pallas_call(
        _final_kernel,
        grid=(grid,),
        in_specs=[
            pl.BlockSpec((BN_C, D), lambda i: (i, 0)),
            pl.BlockSpec((BN_C, D), lambda i: (i, 0)),
            pl.BlockSpec((1, D), lambda i: (0, 0)),
            pl.BlockSpec((1, D), lambda i: (0, 0)),
        ],
        out_specs=pl.BlockSpec((BN_C, D), lambda i: (i, 0)),
        out_shape=jax.ShapeDtypeStruct((N, D), jnp.float32),
    )(atom, ns, scale2, shift2)


def kernel(atom_in_fea, nbr_fea, nbr_fea_idx, bond_weights, W_full, b_full,
           bn1_gamma, bn1_beta, bn2_gamma, bn2_beta):
    atom_in_fea = atom_in_fea.astype(jnp.float32)
    w_s = W_full[:D, :]
    w_n = W_full[D:2 * D, :]
    w_e = W_full[2 * D:, :]
    b2d = b_full[None, :]

    idx_flat = nbr_fea_idx.astype(jnp.int32).reshape(N * M)
    NA1 = 4800
    g1 = _sc_gather(atom_in_fea, idx_flat[:NA1 * M], NA1 * M)
    g2 = _sc_gather(atom_in_fea, idx_flat[NA1 * M:], (N - NA1) * M)
    g3a = g1.reshape(NA1, M, D)
    g3b = g2.reshape(N - NA1, M, D)

    nbr_t = nbr_fea.reshape(N * M, DE).T

    sa, qa = _stats(atom_in_fea, g3a, nbr_t, w_s, w_n, w_e, b2d,
                    0, NA1 // BN_A)
    sb, qb = _stats(atom_in_fea, g3b, nbr_t, w_s, w_n, w_e, b2d,
                    NA1 // BN_A, (N - NA1) // BN_A)
    s1 = sa + sb
    q1 = qa + qb
    cnt = float(N * M)
    mean1 = s1 / cnt
    var1 = jnp.maximum(q1 / cnt - mean1 * mean1, 0.0)
    scale1 = bn1_gamma[None, :] * lax.rsqrt(var1 + EPS)
    shift1 = bn1_beta[None, :] - mean1 * scale1

    w_sg = w_s * scale1
    w_ng = w_n * scale1
    w_eg = w_e * scale1
    b_g = b2d * scale1 + shift1
    nsa, s2a, q2a = _gate(atom_in_fea, g3a, nbr_t, bond_weights,
                          w_sg, w_ng, w_eg, b_g,
                          0, NA1 // BN_B)
    nsb, s2b, q2b = _gate(atom_in_fea, g3b, nbr_t, bond_weights,
                          w_sg, w_ng, w_eg, b_g,
                          NA1 // BN_B, (N - NA1) // BN_B)
    ns = jnp.concatenate([nsa, nsb], axis=0)
    s2 = s2a + s2b
    q2 = q2a + q2b
    mean2 = s2 / float(N)
    var2 = jnp.maximum(q2 / float(N) - mean2 * mean2, 0.0)
    scale2 = bn2_gamma[None, :] * lax.rsqrt(var2 + EPS)
    shift2 = bn2_beta[None, :] - mean2 * scale2

    return _final(atom_in_fea, ns, scale2, shift2)

# --- scband reference (transcript-rebuilt; emitter-appended) ---
"""Pipeline reference for scband-atom-conv-layer-19078244729258 (READ-ONLY COPY).

The authoritative reference and input builder live on the scoring server;
editing this copy changes nothing except your own understanding.
"""

import jax, jax.numpy as jnp
import numpy as np

N = 10000
M = 32
D = 128   # atom_fea_len
DE = 16   # nbr_fea_len
EPS = 1e-5

def softplus(x):
    return jnp.logaddexp(x, 0.0)

def setup_inputs(seed: int = 0):
    key = jax.random.key(seed)
    ks = jax.random.split(key, 6)
    atom_in_fea = jax.random.normal(ks[0], (N, D), dtype=jnp.float32)
    nbr_fea = jax.random.normal(ks[1], (N, M, DE), dtype=jnp.float32)
    nbr_fea_idx = jax.random.randint(ks[2], (N, M), 0, N)
    bond_weights = jax.random.uniform(ks[3], (N, M), dtype=jnp.float32)
    W_full = jax.random.normal(ks[4], (2 * D + DE, 2 * D), dtype=jnp.float32) * (1.0 / np.sqrt(2 * D + DE))
    b_full = jnp.zeros((2 * D,), dtype=jnp.float32)
    bn1_gamma = jnp.ones((2 * D,), dtype=jnp.float32)
    bn1_beta = jnp.zeros((2 * D,), dtype=jnp.float32)
    bn2_gamma = jnp.ones((D,), dtype=jnp.float32)
    bn2_beta = jnp.zeros((D,), dtype=jnp.float32)
    return {
        "atom_in_fea": atom_in_fea,
        "nbr_fea": nbr_fea,
        "nbr_fea_idx": nbr_fea_idx,
        "bond_weights": bond_weights,
        "W_full": W_full,
        "b_full": b_full,
        "bn1_gamma": bn1_gamma,
        "bn1_beta": bn1_beta,
        "bn2_gamma": bn2_gamma,
        "bn2_beta": bn2_beta,
    }

def reference(atom_in_fea, nbr_fea, nbr_fea_idx, bond_weights, W_full, b_full, bn1_gamma, bn1_beta, bn2_gamma, bn2_beta):
    n, m = nbr_fea_idx.shape
    # gather neighbor atom features (SparseCore gather)
    atom_nbr_fea = jnp.take(atom_in_fea, nbr_fea_idx, axis=0)  # (N, M, D)
    self_fea = jnp.broadcast_to(atom_in_fea[:, None, :], (n, m, D))
    total_nbr_fea = jnp.concatenate([self_fea, atom_nbr_fea, nbr_fea], axis=2)  # (N, M, 2D+DE)
    total_gated_fea = total_nbr_fea @ W_full + b_full  # (N, M, 2D)
    # BatchNorm1d (training mode, biased variance, eps=1e-5)
    flat = total_gated_fea.reshape(-1, 2 * D)
    mean1 = jnp.mean(flat, axis=0)
    var1 = jnp.var(flat, axis=0)
    flat = (flat - mean1) / jnp.sqrt(var1 + EPS) * bn1_gamma + bn1_beta
    total_gated_fea = flat.reshape(n, m, 2 * D)
    nbr_filter = total_gated_fea[:, :, :D]
    nbr_core = total_gated_fea[:, :, D:]
    nbr_filter = jax.nn.sigmoid(nbr_filter)
    nbr_core = softplus(nbr_core)
    nbr_filter = nbr_filter * bond_weights[:, :, None]
    nbr_core = nbr_core * bond_weights[:, :, None]
    nbr_sumed = jnp.sum(nbr_filter * nbr_core, axis=1)  # (N, D)
    mean2 = jnp.mean(nbr_sumed, axis=0)
    var2 = jnp.var(nbr_sumed, axis=0)
    nbr_sumed = (nbr_sumed - mean2) / jnp.sqrt(var2 + EPS) * bn2_gamma + bn2_beta
    atom_out_fea = softplus(atom_in_fea + nbr_sumed)
    return atom_out_fea

if __name__ == "__main__":
    import jax
    _d = setup_inputs()
    print(jax.jit(kernel)(*tuple(_d.values())))

</pallas_src>

<mosaic_0001>
#map = affine_map<(d0, d1) -> (0, 0)>
#map1 = affine_map<(d0, d1) -> (0)>
module attributes {stable_mosaic.version = 14 : i64} {
  func.func @k(%arg0: i32, %arg1: i32, %arg2: memref<10000x128xf32, #tpu.memory_space<hbm>>, %arg3: memref<166400xi32, #tpu.memory_space<hbm>>, %arg4: memref<166400x128xf32, #tpu.memory_space<hbm>>, %arg5: memref<5200xi32, #tpu.memory_space<vmem>>, %arg6: memref<80x128xf32, #tpu.memory_space<vmem>>, %arg7: memref<80x128xf32, #tpu.memory_space<vmem>>, %arg8: memref<80x128xf32, #tpu.memory_space<vmem>>, %arg9: memref<80x128xf32, #tpu.memory_space<vmem>>, %arg10: memref<80x128xf32, #tpu.memory_space<vmem>>, %arg11: memref<!tpu.dma_semaphore, #tpu.memory_space<semaphore_mem>>, %arg12: memref<!tpu.dma_semaphore, #tpu.memory_space<semaphore_mem>>, %arg13: memref<!tpu.dma_semaphore, #tpu.memory_space<semaphore_mem>>, %arg14: memref<!tpu.dma_semaphore, #tpu.memory_space<semaphore_mem>>, %arg15: memref<!tpu.dma_semaphore, #tpu.memory_space<semaphore_mem>>, %arg16: memref<!tpu.dma_semaphore, #tpu.memory_space<semaphore_mem>>, %arg17: memref<!tpu.dma_semaphore, #tpu.memory_space<semaphore_mem>>, %arg18: memref<!tpu.dma_semaphore, #tpu.memory_space<semaphore_mem>>, %arg19: memref<!tpu.dma_semaphore, #tpu.memory_space<semaphore_mem>>, %arg20: memref<!tpu.dma_semaphore, #tpu.memory_space<semaphore_mem>>) attributes {dimension_semantics = [#tpu.dimension_semantics<core_parallel>, #tpu.dimension_semantics<subcore_parallel>], iteration_bounds = array<i64: 2, 16>, scalar_prefetch = 0 : i64, scratch_operands = 16 : i64, tpu.core_type = #tpu.core_type<sc_vector_subcore>, window_params = [{transform_indices = #map}, {transform_indices = #map1}, {transform_indices = #map}]} {
    %mul3A = arith.constant 2 : i32
    %mul3A_0 = arith.muli %arg1, %mul3A : i32
    %add3A = arith.addi %mul3A_0, %arg0 : i32
    %mul3A_1 = arith.constant 65 : i32
    %mul3A_2 = arith.muli %add3A, %mul3A_1 : i32
    %mul3A_3 = arith.constant 80 : i32
    %mul3A_4 = arith.muli %mul3A_2, %mul3A_3 : i32
    "tpu.region"() ({
      %run_scoped3A = tpu.sem_alloc : memref<!tpu.dma_semaphore, #tpu.memory_space<semaphore_mem>>
      %dma_start3A_38 = tpu.memref_slice %arg3[%mul3A_4] : memref<166400xi32, #tpu.memory_space<hbm>> -> memref<5200xi32, #tpu.memory_space<hbm>>
      %dma_start3A_39 = tpu.memref_slice %arg3[%mul3A_4] : memref<166400xi32, #tpu.memory_space<hbm>> -> memref<5200xi32, #tpu.memory_space<hbm>>
      tpu.enqueue_dma source(%dma_start3A_39 : memref<5200xi32, #tpu.memory_space<hbm>>) target(%arg5 : memref<5200xi32, #tpu.memory_space<vmem>>) target_semaphore(%run_scoped3A : memref<!tpu.dma_semaphore, #tpu.memory_space<semaphore_mem>>)
      %dma_wait3A = tpu.memref_slice %arg3[%mul3A_4] : memref<166400xi32, #tpu.memory_space<hbm>> -> memref<5200xi32, #tpu.memory_space<hbm>>
      %dma_wait3A_40 = tpu.memref_slice %arg3[%mul3A_4] : memref<166400xi32, #tpu.memory_space<hbm>> -> memref<5200xi32, #tpu.memory_space<hbm>>
      tpu.wait_dma2 semaphore(%run_scoped3A : memref<!tpu.dma_semaphore, #tpu.memory_space<semaphore_mem>>) src(%dma_wait3A_40 : memref<5200xi32, #tpu.memory_space<hbm>>) dst(%arg5 : memref<5200xi32, #tpu.memory_space<vmem>>)
      tpu.yield
    }) : () -> ()
    %multiple_of3A = arith.constant 0 : i32
    %multiple_of3A_5 = tpu.assume_multiple %multiple_of3A, 80 : i32
    %dma_start3A = tpu.memref_slice %arg5[%multiple_of3A_5] : memref<5200xi32, #tpu.memory_space<vmem>> -> memref<80xi32, #tpu.memory_space<vmem>>
    %dma_start3A_6 = arith.constant 0 : i32
    %dma_start3A_7 = arith.constant 0 : i32
    %dma_start3A_8 = tpu.memref_slice %arg2[%dma_start3A_6, %dma_start3A_7] : memref<10000x128xf32, #tpu.memory_space<hbm>> -> memref<10000x128xf32, #tpu.memory_space<hbm>>
    tpu.enqueue_indirect_dma source(%dma_start3A_8 : memref<10000x128xf32, #tpu.memory_space<hbm>>) target(%arg6 : memref<80x128xf32, #tpu.memory_space<vmem>>) offsets(%dma_start3A : memref<80xi32, #tpu.memory_space<vmem>>) semaphore(%arg11 : memref<!tpu.dma_semaphore, #tpu.memory_space<semaphore_mem>>)
    %multiple_of3A_9 = arith.constant 80 : i32
    %multiple_of3A_10 = tpu.assume_multiple %multiple_of3A_9, 80 : i32
    %dma_start3A_11 = tpu.memref_slice %arg5[%multiple_of3A_10] : memref<5200xi32, #tpu.memory_space<vmem>> -> memref<80xi32, #tpu.memory_space<vmem>>
    %dma_start3A_12 = arith.constant 0 : i32
    %dma_start3A_13 = arith.constant 0 : i32
    %dma_start3A_14 = tpu.memref_slice %arg2[%dma_start3A_12, %dma_start3A_13] : memref<10000x128xf32, #tpu.memory_space<hbm>> -> memref<10000x128xf32, #tpu.memory_space<hbm>>
    tpu.enqueue_indirect_dma source(%dma_start3A_14 : memref<10000x128xf32, #tpu.memory_space<hbm>>) target(%arg7 : memref<80x128xf32, #tpu.memory_space<vmem>>) offsets(%dma_start3A_11 : memref<80xi32, #tpu.memory_space<vmem>>) semaphore(%arg12 : memref<!tpu.dma_semaphore, #tpu.memory_space<semaphore_mem>>)
    %multiple_of3A_15 = arith.constant 160 : i32
    %multiple_of3A_16 = tpu.assume_multiple %multiple_of3A_15, 80 : i32
    %dma_start3A_17 = tpu.memref_slice %arg5[%multiple_of3A_16] : memref<5200xi32, #tpu.memory_space<vmem>> -> memref<80xi32, #tpu.memory_space<vmem>>
    %dma_start3A_18 = arith.constant 0 : i32
    %dma_start3A_19 = arith.constant 0 : i32
    %dma_start3A_20 = tpu.memref_slice %arg2[%dma_start3A_18, %dma_start3A_19] : memref<10000x128xf32, #tpu.memory_space<hbm>> -> memref<10000x128xf32, #tpu.memory_space<hbm>>
    tpu.enqueue_indirect_dma source(%dma_start3A_20 : memref<10000x128xf32, #tpu.memory_space<hbm>>) target(%arg8 : memref<80x128xf32, #tpu.memory_space<vmem>>) offsets(%dma_start3A_17 : memref<80xi32, #tpu.memory_space<vmem>>) semaphore(%arg13 : memref<!tpu.dma_semaphore, #tpu.memory_space<semaphore_mem>>)
    %multiple_of3A_21 = arith.constant 240 : i32
    %multiple_of3A_22 = tpu.assume_multiple %multiple_of3A_21, 80 : i32
    %dma_start3A_23 = tpu.memref_slice %arg5[%multiple_of3A_22] : memref<5200xi32, #tpu.memory_space<vmem>> -> memref<80xi32, #tpu.memory_space<vmem>>
    %dma_start3A_24 = arith.constant 0 : i32
    %dma_start3A_25 = arith.constant 0 : i32
    %dma_start3A_26 = tpu.memref_slice %arg2[%dma_start3A_24, %dma_start3A_25] : memref<10000x128xf32, #tpu.memory_space<hbm>> -> memref<10000x128xf32, #tpu.memory_space<hbm>>
    tpu.enqueue_indirect_dma source(%dma_start3A_26 : memref<10000x128xf32, #tpu.memory_space<hbm>>) target(%arg9 : memref<80x128xf32, #tpu.memory_space<vmem>>) offsets(%dma_start3A_23 : memref<80xi32, #tpu.memory_space<vmem>>) semaphore(%arg14 : memref<!tpu.dma_semaphore, #tpu.memory_space<semaphore_mem>>)
    %multiple_of3A_27 = arith.constant 320 : i32
    %multiple_of3A_28 = tpu.assume_multiple %multiple_of3A_27, 80 : i32
    %dma_start3A_29 = tpu.memref_slice %arg5[%multiple_of3A_28] : memref<5200xi32, #tpu.memory_space<vmem>> -> memref<80xi32, #tpu.memory_space<vmem>>
    %dma_start3A_30 = arith.constant 0 : i32
    %dma_start3A_31 = arith.constant 0 : i32
    %dma_start3A_32 = tpu.memref_slice %arg2[%dma_start3A_30, %dma_start3A_31] : memref<10000x128xf32, #tpu.memory_space<hbm>> -> memref<10000x128xf32, #tpu.memory_space<hbm>>
    tpu.enqueue_indirect_dma source(%dma_start3A_32 : memref<10000x128xf32, #tpu.memory_space<hbm>>) target(%arg10 : memref<80x128xf32, #tpu.memory_space<vmem>>) offsets(%dma_start3A_29 : memref<80xi32, #tpu.memory_space<vmem>>) semaphore(%arg15 : memref<!tpu.dma_semaphore, #tpu.memory_space<semaphore_mem>>)
    %scan3A = arith.constant 0 : i32
    %scan3A_33 = arith.constant 0 : i32
    %scan3A_34 = arith.constant 13 : i32
    %scan3A_35 = arith.addi %scan3A_33, %scan3A_34 : i32
    %scan3A_36 = arith.constant 1 : i32
    scf.for %scan3A_38 = %scan3A_33 to %scan3A_35 step %scan3A_36  : i32 {
      %mul3A_39 = arith.constant 5 : i32
      %mul3A_40 = arith.muli %scan3A_38, %mul3A_39 : i32
      %add3A_41 = arith.constant 0 : i32
      %add3A_42 = arith.addi %mul3A_40, %add3A_41 : i32
      %multiple_of3A_43 = arith.constant 0 : i32
      %multiple_of3A_44 = tpu.assume_multiple %multiple_of3A_43, 80 : i32
      %dma_wait3A = tpu.memref_slice %arg5[%multiple_of3A_44] : memref<5200xi32, #tpu.memory_space<vmem>> -> memref<80xi32, #tpu.memory_space<vmem>>
      %dma_wait3A_45 = arith.constant 0 : i32
      %dma_wait3A_46 = arith.constant 0 : i32
      %dma_wait3A_47 = tpu.memref_slice %arg2[%dma_wait3A_45, %dma_wait3A_46] : memref<10000x128xf32, #tpu.memory_space<hbm>> -> memref<10000x128xf32, #tpu.memory_space<hbm>>
      tpu.wait_indirect_dma semaphore(%arg11 : memref<!tpu.dma_semaphore, #tpu.memory_space<semaphore_mem>>) src(%dma_wait3A_47 : memref<10000x128xf32, #tpu.memory_space<hbm>>) dst(%arg6 : memref<80x128xf32, #tpu.memory_space<vmem>>)
      %add3A_48 = arith.addi %mul3A_2, %add3A_42 : i32
      %mul3A_49 = arith.constant 80 : i32
      %mul3A_50 = arith.muli %add3A_48, %mul3A_49 : i32
      %multiple_of3A_51 = tpu.assume_multiple %mul3A_50, 80 : i32
      %dma_start3A_52 = arith.constant 0 : i32
      %dma_start3A_53 = tpu.memref_slice %arg4[%multiple_of3A_51, %dma_start3A_52] : memref<166400x128xf32, #tpu.memory_space<hbm>> -> memref<80x128xf32, #tpu.memory_space<hbm>>
      %dma_start3A_54 = arith.constant 0 : i32
      %dma_start3A_55 = tpu.memref_slice %arg4[%multiple_of3A_51, %dma_start3A_54] : memref<166400x128xf32, #tpu.memory_space<hbm>> -> memref<80x128xf32, #tpu.memory_space<hbm>>
      tpu.enqueue_dma source(%arg6 : memref<80x128xf32, #tpu.memory_space<vmem>>) target(%dma_start3A_55 : memref<80x128xf32, #tpu.memory_space<hbm>>) target_semaphore(%arg16 : memref<!tpu.dma_semaphore, #tpu.memory_space<semaphore_mem>>)
      %dma_wait3A_56 = arith.constant 0 : i32
      %dma_wait3A_57 = tpu.memref_slice %arg4[%multiple_of3A_51, %dma_wait3A_56] : memref<166400x128xf32, #tpu.memory_space<hbm>> -> memref<80x128xf32, #tpu.memory_space<hbm>>
      %dma_wait3A_58 = arith.constant 0 : i32
      %dma_wait3A_59 = tpu.memref_slice %arg4[%multiple_of3A_51, %dma_wait3A_58] : memref<166400x128xf32, #tpu.memory_space<hbm>> -> memref<80x128xf32, #tpu.memory_space<hbm>>
      tpu.wait_dma2 semaphore(%arg16 : memref<!tpu.dma_semaphore, #tpu.memory_space<semaphore_mem>>) src(%arg6 : memref<80x128xf32, #tpu.memory_space<vmem>>) dst(%dma_wait3A_59 : memref<80x128xf32, #tpu.memory_space<hbm>>)
      %add3A_60 = arith.constant 5 : i32
      %add3A_61 = arith.addi %add3A_42, %add3A_60 : i32
      %lt3A = arith.constant 65 : i32
      %lt3A_62 = arith.cmpi slt, %add3A_61, %lt3A : i32
      %convert_element_type3A = arith.extui %lt3A_62 : i1 to i32
      %cond3A = arith.constant 0 : i32
      %cond3A_63 = arith.cmpi ne, %convert_element_type3A, %cond3A : i32
      scf.if %cond3A_63 {
        %add3A_180 = arith.constant 5 : i32
        %add3A_181 = arith.addi %add3A_42, %add3A_180 : i32
        %mul3A_182 = arith.constant 80 : i32
        %mul3A_183 = arith.muli %add3A_181, %mul3A_182 : i32
        %multiple_of3A_184 = tpu.assume_multiple %mul3A_183, 80 : i32
        %dma_start3A_185 = tpu.memref_slice %arg5[%multiple_of3A_184] : memref<5200xi32, #tpu.memory_space<vmem>> -> memref<80xi32, #tpu.memory_space<vmem>>
        %dma_start3A_186 = arith.constant 0 : i32
        %dma_start3A_187 = arith.constant 0 : i32
        %dma_start3A_188 = tpu.memref_slice %arg2[%dma_start3A_186, %dma_start3A_187] : memref<10000x128xf32, #tpu.memory_space<hbm>> -> memref<10000x128xf32, #tpu.memory_space<hbm>>
        tpu.enqueue_indirect_dma source(%dma_start3A_188 : memref<10000x128xf32, #tpu.memory_space<hbm>>) target(%arg6 : memref<80x128xf32, #tpu.memory_space<vmem>>) offsets(%dma_start3A_185 : memref<80xi32, #tpu.memory_space<vmem>>) semaphore(%arg11 : memref<!tpu.dma_semaphore, #tpu.memory_space<semaphore_mem>>)
      } else {
      }
      %mul3A_64 = arith.constant 5 : i32
      %mul3A_65 = arith.muli %scan3A_38, %mul3A_64 : i32
      %add3A_66 = arith.constant 1 : i32
      %add3A_67 = arith.addi %mul3A_65, %add3A_66 : i32
      %multiple_of3A_68 = arith.constant 80 : i32
      %multiple_of3A_69 = tpu.assume_multiple %multiple_of3A_68, 80 : i32
      %dma_wait3A_70 = tpu.memref_slice %arg5[%multiple_of3A_69] : memref<5200xi32, #tpu.memory_space<vmem>> -> memref<80xi32, #tpu.memory_space<vmem>>
      %dma_wait3A_71 = arith.constant 0 : i32
      %dma_wait3A_72 = arith.constant 0 : i32
      %dma_wait3A_73 = tpu.memref_slice %arg2[%dma_wait3A_71, %dma_wait3A_72] : memref<10000x128xf32, #tpu.memory_space<hbm>> -> memref<10000x128xf32, #tpu.memory_space<hbm>>
      tpu.wait_indirect_dma semaphore(%arg12 : memref<!tpu.dma_semaphore, #tpu.memory_space<semaphore_mem>>) src(%dma_wait3A_73 : memref<10000x128xf32, #tpu.memory_space<hbm>>) dst(%arg7 : memref<80x128xf32, #tpu.memory_space<vmem>>)
      %add3A_74 = arith.addi %mul3A_2, %add3A_67 : i32
      %mul3A_75 = arith.constant 80 : i32
      %mul3A_76 = arith.muli %add3A_74, %mul3A_75 : i32
      %multiple_of3A_77 = tpu.assume_multiple %mul3A_76, 80 : i32
      %dma_start3A_78 = arith.constant 0 : i32
      %dma_start3A_79 = tpu.memref_slice %arg4[%multiple_of3A_77, %dma_start3A_78] : memref<166400x128xf32, #tpu.memory_space<hbm>> -> memref<80x128xf32, #tpu.memory_space<hbm>>
      %dma_start3A_80 = arith.constant 0 : i32
      %dma_start3A_81 = tpu.memref_slice %arg4[%multiple_of3A_77, %dma_start3A_80] : memref<166400x128xf32, #tpu.memory_space<hbm>> -> memref<80x128xf32, #tpu.memory_space<hbm>>
      tpu.enqueue_dma source(%arg7 : memref<80x128xf32, #tpu.memory_space<vmem>>) target(%dma_start3A_81 : memref<80x128xf32, #tpu.memory_space<hbm>>) target_semaphore(%arg17 : memref<!tpu.dma_semaphore, #tpu.memory_space<semaphore_mem>>)
      %dma_wait3A_82 = arith.constant 0 : i32
      %dma_wait3A_83 = tpu.memref_slice %arg4[%multiple_of3A_77, %dma_wait3A_82] : memref<166400x128xf32, #tpu.memory_space<hbm>> -> memref<80x128xf32, #tpu.memory_space<hbm>>
      %dma_wait3A_84 = arith.constant 0 : i32
      %dma_wait3A_85 = tpu.memref_slice %arg4[%multiple_of3A_77, %dma_wait3A_84] : memref<166400x128xf32, #tpu.memory_space<hbm>> -> memref<80x128xf32, #tpu.memory_space<hbm>>
      tpu.wait_dma2 semaphore(%arg17 : memref<!tpu.dma_semaphore, #tpu.memory_space<semaphore_mem>>) src(%arg7 : memref<80x128xf32, #tpu.memory_space<vmem>>) dst(%dma_wait3A_85 : memref<80x128xf32, #tpu.memory_space<hbm>>)
      %add3A_86 = arith.constant 5 : i32
      %add3A_87 = arith.addi %add3A_67, %add3A_86 : i32
      %lt3A_88 = arith.constant 65 : i32
      %lt3A_89 = arith.cmpi slt, %add3A_87, %lt3A_88 : i32
      %convert_element_type3A_90 = arith.extui %lt3A_89 : i1 to i32
      %cond3A_91 = arith.constant 0 : i32
      %cond3A_92 = arith.cmpi ne, %convert_element_type3A_90, %cond3A_91 : i32
      scf.if %cond3A_92 {
        %add3A_180 = arith.constant 5 : i32
        %add3A_181 = arith.addi %add3A_67, %add3A_180 : i32
        %mul3A_182 = arith.constant 80 : i32
        %mul3A_183 = arith.muli %add3A_181, %mul3A_182 : i32
        %multiple_of3A_184 = tpu.assume_multiple %mul3A_183, 80 : i32
        %dma_start3A_185 = tpu.memref_slice %arg5[%multiple_of3A_184] : memref<5200xi32, #tpu.memory_space<vmem>> -> memref<80xi32, #tpu.memory_space<vmem>>
        %dma_start3A_186 = arith.constant 0 : i32
        %dma_start3A_187 = arith.constant 0 : i32
        %dma_start3A_188 = tpu.memref_slice %arg2[%dma_start3A_186, %dma_start3A_187] : memref<10000x128xf32, #tpu.memory_space<hbm>> -> memref<10000x128xf32, #tpu.memory_space<hbm>>
        tpu.enqueue_indirect_dma source(%dma_start3A_188 : memref<10000x128xf32, #tpu.memory_space<hbm>>) target(%arg7 : memref<80x128xf32, #tpu.memory_space<vmem>>) offsets(%dma_start3A_185 : memref<80xi32, #tpu.memory_space<vmem>>) semaphore(%arg12 : memref<!tpu.dma_semaphore, #tpu.memory_space<semaphore_mem>>)
      } else {
      }
      %mul3A_93 = arith.constant 5 : i32
      %mul3A_94 = arith.muli %scan3A_38, %mul3A_93 : i32
      %add3A_95 = arith.constant 2 : i32
      %add3A_96 = arith.addi %mul3A_94, %add3A_95 : i32
      %multiple_of3A_97 = arith.constant 160 : i32
      %multiple_of3A_98 = tpu.assume_multiple %multiple_of3A_97, 80 : i32
      %dma_wait3A_99 = tpu.memref_slice %arg5[%multiple_of3A_98] : memref<5200xi32, #tpu.memory_space<vmem>> -> memref<80xi32, #tpu.memory_space<vmem>>
      %dma_wait3A_100 = arith.constant 0 : i32
      %dma_wait3A_101 = arith.constant 0 : i32
      %dma_wait3A_102 = tpu.memref_slice %arg2[%dma_wait3A_100, %dma_wait3A_101] : memref<10000x128xf32, #tpu.memory_space<hbm>> -> memref<10000x128xf32, #tpu.memory_space<hbm>>
      tpu.wait_indirect_dma semaphore(%arg13 : memref<!tpu.dma_semaphore, #tpu.memory_space<semaphore_mem>>) src(%dma_wait3A_102 : memref<10000x128xf32, #tpu.memory_space<hbm>>) dst(%arg8 : memref<80x128xf32, #tpu.memory_space<vmem>>)
      %add3A_103 = arith.addi %mul3A_2, %add3A_96 : i32
      %mul3A_104 = arith.constant 80 : i32
      %mul3A_105 = arith.muli %add3A_103, %mul3A_104 : i32
      %multiple_of3A_106 = tpu.assume_multiple %mul3A_105, 80 : i32
      %dma_start3A_107 = arith.constant 0 : i32
      %dma_start3A_108 = tpu.memref_slice %arg4[%multiple_of3A_106, %dma_start3A_107] : memref<166400x128xf32, #tpu.memory_space<hbm>> -> memref<80x128xf32, #tpu.memory_space<hbm>>
      %dma_start3A_109 = arith.constant 0 : i32
      %dma_start3A_110 = tpu.memref_slice %arg4[%multiple_of3A_106, %dma_start3A_109] : memref<166400x128xf32, #tpu.memory_space<hbm>> -> memref<80x128xf32, #tpu.memory_space<hbm>>
      tpu.enqueue_dma source(%arg8 : memref<80x128xf32, #tpu.memory_space<vmem>>) target(%dma_start3A_110 : memref<80x128xf32, #tpu.memory_space<hbm>>) target_semaphore(%arg18 : memref<!tpu.dma_semaphore, #tpu.memory_space<semaphore_mem>>)
      %dma_wait3A_111 = arith.constant 0 : i32
      %dma_wait3A_112 = tpu.memref_slice %arg4[%multiple_of3A_106, %dma_wait3A_111] : memref<166400x128xf32, #tpu.memory_space<hbm>> -> memref<80x128xf32, #tpu.memory_space<hbm>>
      %dma_wait3A_113 = arith.constant 0 : i32
      %dma_wait3A_114 = tpu.memref_slice %arg4[%multiple_of3A_106, %dma_wait3A_113] : memref<166400x128xf32, #tpu.memory_space<hbm>> -> memref<80x128xf32, #tpu.memory_space<hbm>>
      tpu.wait_dma2 semaphore(%arg18 : memref<!tpu.dma_semaphore, #tpu.memory_space<semaphore_mem>>) src(%arg8 : memref<80x128xf32, #tpu.memory_space<vmem>>) dst(%dma_wait3A_114 : memref<80x128xf32, #tpu.memory_space<hbm>>)
      %add3A_115 = arith.constant 5 : i32
      %add3A_116 = arith.addi %add3A_96, %add3A_115 : i32
      %lt3A_117 = arith.constant 65 : i32
      %lt3A_118 = arith.cmpi slt, %add3A_116, %lt3A_117 : i32
      %convert_element_type3A_119 = arith.extui %lt3A_118 : i1 to i32
      %cond3A_120 = arith.constant 0 : i32
      %cond3A_121 = arith.cmpi ne, %convert_element_type3A_119, %cond3A_120 : i32
      scf.if %cond3A_121 {
        %add3A_180 = arith.constant 5 : i32
        %add3A_181 = arith.addi %add3A_96, %add3A_180 : i32
        %mul3A_182 = arith.constant 80 : i32
        %mul3A_183 = arith.muli %add3A_181, %mul3A_182 : i32
        %multiple_of3A_184 = tpu.assume_multiple %mul3A_183, 80 : i32
        %dma_start3A_185 = tpu.memref_slice %arg5[%multiple_of3A_184] : memref<5200xi32, #tpu.memory_space<vmem>> -> memref<80xi32, #tpu.memory_space<vmem>>
        %dma_start3A_186 = arith.constant 0 : i32
        %dma_start3A_187 = arith.constant 0 : i32
        %dma_start3A_188 = tpu.memref_slice %arg2[%dma_start3A_186, %dma_start3A_187] : memref<10000x128xf32, #tpu.memory_space<hbm>> -> memref<10000x128xf32, #tpu.memory_space<hbm>>
        tpu.enqueue_indirect_dma source(%dma_start3A_188 : memref<10000x128xf32, #tpu.memory_space<hbm>>) target(%arg8 : memref<80x128xf32, #tpu.memory_space<vmem>>) offsets(%dma_start3A_185 : memref<80xi32, #tpu.memory_space<vmem>>) semaphore(%arg13 : memref<!tpu.dma_semaphore, #tpu.memory_space<semaphore_mem>>)
      } else {
      }
      %mul3A_122 = arith.constant 5 : i32
      %mul3A_123 = arith.muli %scan3A_38, %mul3A_122 : i32
      %add3A_124 = arith.constant 3 : i32
      %add3A_125 = arith.addi %mul3A_123, %add3A_124 : i32
      %multiple_of3A_126 = arith.constant 240 : i32
      %multiple_of3A_127 = tpu.assume_multiple %multiple_of3A_126, 80 : i32
      %dma_wait3A_128 = tpu.memref_slice %arg5[%multiple_of3A_127] : memref<5200xi32, #tpu.memory_space<vmem>> -> memref<80xi32, #tpu.memory_space<vmem>>
      %dma_wait3A_129 = arith.constant 0 : i32
      %dma_wait3A_130 = arith.constant 0 : i32
      %dma_wait3A_131 = tpu.memref_slice %arg2[%dma_wait3A_129, %dma_wait3A_130] : memref<10000x128xf32, #tpu.memory_space<hbm>> -> memref<10000x128xf32, #tpu.memory_space<hbm>>
      tpu.wait_indirect_dma semaphore(%arg14 : memref<!tpu.dma_semaphore, #tpu.memory_space<semaphore_mem>>) src(%dma_wait3A_131 : memref<10000x128xf32, #tpu.memory_space<hbm>>) dst(%arg9 : memref<80x128xf32, #tpu.memory_space<vmem>>)
      %add3A_132 = arith.addi %mul3A_2, %add3A_125 : i32
      %mul3A_133 = arith.constant 80 : i32
      %mul3A_134 = arith.muli %add3A_132, %mul3A_133 : i32
      %multiple_of3A_135 = tpu.assume_multiple %mul3A_134, 80 : i32
      %dma_start3A_136 = arith.constant 0 : i32
      %dma_start3A_137 = tpu.memref_slice %arg4[%multiple_of3A_135, %dma_start3A_136] : memref<166400x128xf32, #tpu.memory_space<hbm>> -> memref<80x128xf32, #tpu.memory_space<hbm>>
      %dma_start3A_138 = arith.constant 0 : i32
      %dma_start3A_139 = tpu.memref_slice %arg4[%multiple_of3A_135, %dma_start3A_138] : memref<166400x128xf32, #tpu.memory_space<hbm>> -> memref<80x128xf32, #tpu.memory_space<hbm>>
      tpu.enqueue_dma source(%arg9 : memref<80x128xf32, #tpu.memory_space<vmem>>) target(%dma_start3A_139 : memref<80x128xf32, #tpu.memory_space<hbm>>) target_semaphore(%arg19 : memref<!tpu.dma_semaphore, #tpu.memory_space<semaphore_mem>>)
      %dma_wait3A_140 = arith.constant 0 : i32
      %dma_wait3A_141 = tpu.memref_slice %arg4[%multiple_of3A_135, %dma_wait3A_140] : memref<166400x128xf32, #tpu.memory_space<hbm>> -> memref<80x128xf32, #tpu.memory_space<hbm>>
      %dma_wait3A_142 = arith.constant 0 : i32
      %dma_wait3A_143 = tpu.memref_slice %arg4[%multiple_of3A_135, %dma_wait3A_142] : memref<166400x128xf32, #tpu.memory_space<hbm>> -> memref<80x128xf32, #tpu.memory_space<hbm>>
      tpu.wait_dma2 semaphore(%arg19 : memref<!tpu.dma_semaphore, #tpu.memory_space<semaphore_mem>>) src(%arg9 : memref<80x128xf32, #tpu.memory_space<vmem>>) dst(%dma_wait3A_143 : memref<80x128xf32, #tpu.memory_space<hbm>>)
      %add3A_144 = arith.constant 5 : i32
      %add3A_145 = arith.addi %add3A_125, %add3A_144 : i32
      %lt3A_146 = arith.constant 65 : i32
      %lt3A_147 = arith.cmpi slt, %add3A_145, %lt3A_146 : i32
      %convert_element_type3A_148 = arith.extui %lt3A_147 : i1 to i32
      %cond3A_149 = arith.constant 0 : i32
      %cond3A_150 = arith.cmpi ne, %convert_element_type3A_148, %cond3A_149 : i32
      scf.if %cond3A_150 {
        %add3A_180 = arith.constant 5 : i32
        %add3A_181 = arith.addi %add3A_125, %add3A_180 : i32
        %mul3A_182 = arith.constant 80 : i32
        %mul3A_183 = arith.muli %add3A_181, %mul3A_182 : i32
        %multiple_of3A_184 = tpu.assume_multiple %mul3A_183, 80 : i32
        %dma_start3A_185 = tpu.memref_slice %arg5[%multiple_of3A_184] : memref<5200xi32, #tpu.memory_space<vmem>> -> memref<80xi32, #tpu.memory_space<vmem>>
        %dma_start3A_186 = arith.constant 0 : i32
        %dma_start3A_187 = arith.constant 0 : i32
        %dma_start3A_188 = tpu.memref_slice %arg2[%dma_start3A_186, %dma_start3A_187] : memref<10000x128xf32, #tpu.memory_space<hbm>> -> memref<10000x128xf32, #tpu.memory_space<hbm>>
        tpu.enqueue_indirect_dma source(%dma_start3A_188 : memref<10000x128xf32, #tpu.memory_space<hbm>>) target(%arg9 : memref<80x128xf32, #tpu.memory_space<vmem>>) offsets(%dma_start3A_185 : memref<80xi32, #tpu.memory_space<vmem>>) semaphore(%arg14 : memref<!tpu.dma_semaphore, #tpu.memory_space<semaphore_mem>>)
      } else {
      }
      %mul3A_151 = arith.constant 5 : i32
      %mul3A_152 = arith.muli %scan3A_38, %mul3A_151 : i32
      %add3A_153 = arith.constant 4 : i32
      %add3A_154 = arith.addi %mul3A_152, %add3A_153 : i32
      %multiple_of3A_155 = arith.constant 320 : i32
      %multiple_of3A_156 = tpu.assume_multiple %multiple_of3A_155, 80 : i32
      %dma_wait3A_157 = tpu.memref_slice %arg5[%multiple_of3A_156] : memref<5200xi32, #tpu.memory_space<vmem>> -> memref<80xi32, #tpu.memory_space<vmem>>
      %dma_wait3A_158 = arith.constant 0 : i32
      %dma_wait3A_159 = arith.constant 0 : i32
      %dma_wait3A_160 = tpu.memref_slice %arg2[%dma_wait3A_158, %dma_wait3A_159] : memref<10000x128xf32, #tpu.memory_space<hbm>> -> memref<10000x128xf32, #tpu.memory_space<hbm>>
      tpu.wait_indirect_dma semaphore(%arg15 : memref<!tpu.dma_semaphore, #tpu.memory_space<semaphore_mem>>) src(%dma_wait3A_160 : memref<10000x128xf32, #tpu.memory_space<hbm>>) dst(%arg10 : memref<80x128xf32, #tpu.memory_space<vmem>>)
      %add3A_161 = arith.addi %mul3A_2, %add3A_154 : i32
      %mul3A_162 = arith.constant 80 : i32
      %mul3A_163 = arith.muli %add3A_161, %mul3A_162 : i32
      %multiple_of3A_164 = tpu.assume_multiple %mul3A_163, 80 : i32
      %dma_start3A_165 = arith.constant 0 : i32
      %dma_start3A_166 = tpu.memref_slice %arg4[%multiple_of3A_164, %dma_start3A_165] : memref<166400x128xf32, #tpu.memory_space<hbm>> -> memref<80x128xf32, #tpu.memory_space<hbm>>
      %dma_start3A_167 = arith.constant 0 : i32
      %dma_start3A_168 = tpu.memref_slice %arg4[%multiple_of3A_164, %dma_start3A_167] : memref<166400x128xf32, #tpu.memory_space<hbm>> -> memref<80x128xf32, #tpu.memory_space<hbm>>
      tpu.enqueue_dma source(%arg10 : memref<80x128xf32, #tpu.memory_space<vmem>>) target(%dma_start3A_168 : memref<80x128xf32, #tpu.memory_space<hbm>>) target_semaphore(%arg20 : memref<!tpu.dma_semaphore, #tpu.memory_space<semaphore_mem>>)
      %dma_wait3A_169 = arith.constant 0 : i32
      %dma_wait3A_170 = tpu.memref_slice %arg4[%multiple_of3A_164, %dma_wait3A_169] : memref<166400x128xf32, #tpu.memory_space<hbm>> -> memref<80x128xf32, #tpu.memory_space<hbm>>
      %dma_wait3A_171 = arith.constant 0 : i32
      %dma_wait3A_172 = tpu.memref_slice %arg4[%multiple_of3A_164, %dma_wait3A_171] : memref<166400x128xf32, #tpu.memory_space<hbm>> -> memref<80x128xf32, #tpu.memory_space<hbm>>
      tpu.wait_dma2 semaphore(%arg20 : memref<!tpu.dma_semaphore, #tpu.memory_space<semaphore_mem>>) src(%arg10 : memref<80x128xf32, #tpu.memory_space<vmem>>) dst(%dma_wait3A_172 : memref<80x128xf32, #tpu.memory_space<hbm>>)
      %add3A_173 = arith.constant 5 : i32
      %add3A_174 = arith.addi %add3A_154, %add3A_173 : i32
      %lt3A_175 = arith.constant 65 : i32
      %lt3A_176 = arith.cmpi slt, %add3A_174, %lt3A_175 : i32
      %convert_element_type3A_177 = arith.extui %lt3A_176 : i1 to i32
      %cond3A_178 = arith.constant 0 : i32
      %cond3A_179 = arith.cmpi ne, %convert_element_type3A_177, %cond3A_178 : i32
      scf.if %cond3A_179 {
        %add3A_180 = arith.constant 5 : i32
        %add3A_181 = arith.addi %add3A_154, %add3A_180 : i32
        %mul3A_182 = arith.constant 80 : i32
        %mul3A_183 = arith.muli %add3A_181, %mul3A_182 : i32
        %multiple_of3A_184 = tpu.assume_multiple %mul3A_183, 80 : i32
        %dma_start3A_185 = tpu.memref_slice %arg5[%multiple_of3A_184] : memref<5200xi32, #tpu.memory_space<vmem>> -> memref<80xi32, #tpu.memory_space<vmem>>
        %dma_start3A_186 = arith.constant 0 : i32
        %dma_start3A_187 = arith.constant 0 : i32
        %dma_start3A_188 = tpu.memref_slice %arg2[%dma_start3A_186, %dma_start3A_187] : memref<10000x128xf32, #tpu.memory_space<hbm>> -> memref<10000x128xf32, #tpu.memory_space<hbm>>
        tpu.enqueue_indirect_dma source(%dma_start3A_188 : memref<10000x128xf32, #tpu.memory_space<hbm>>) target(%arg10 : memref<80x128xf32, #tpu.memory_space<vmem>>) offsets(%dma_start3A_185 : memref<80xi32, #tpu.memory_space<vmem>>) semaphore(%arg15 : memref<!tpu.dma_semaphore, #tpu.memory_space<semaphore_mem>>)
      } else {
      }
    }
    %scan3A_37 = arith.constant 13 : i32
    return
  }
}

#map = affine_map<(d0, d1) -> (0, 0)>
#map1 = affine_map<(d0, d1) -> (0)>
module attributes {stable_mosaic.version = 14 : i64} {
  func.func @k(%arg0: i32, %arg1: i32, %arg2: memref<10000x128xf32, #tpu.memory_space<hbm>>, %arg3: memref<153600xi32, #tpu.memory_space<hbm>>, %arg4: memref<153600x128xf32, #tpu.memory_space<hbm>>, %arg5: memref<4800xi32, #tpu.memory_space<vmem>>, %arg6: memref<80x128xf32, #tpu.memory_space<vmem>>, %arg7: memref<80x128xf32, #tpu.memory_space<vmem>>, %arg8: memref<80x128xf32, #tpu.memory_space<vmem>>, %arg9: memref<80x128xf32, #tpu.memory_space<vmem>>, %arg10: memref<80x128xf32, #tpu.memory_space<vmem>>, %arg11: memref<!tpu.dma_semaphore, #tpu.memory_space<semaphore_mem>>, %arg12: memref<!tpu.dma_semaphore, #tpu.memory_space<semaphore_mem>>, %arg13: memref<!tpu.dma_semaphore, #tpu.memory_space<semaphore_mem>>, %arg14: memref<!tpu.dma_semaphore, #tpu.memory_space<semaphore_mem>>, %arg15: memref<!tpu.dma_semaphore, #tpu.memory_space<semaphore_mem>>, %arg16: memref<!tpu.dma_semaphore, #tpu.memory_space<semaphore_mem>>, %arg17: memref<!tpu.dma_semaphore, #tpu.memory_space<semaphore_mem>>, %arg18: memref<!tpu.dma_semaphore, #tpu.memory_space<semaphore_mem>>, %arg19: memref<!tpu.dma_semaphore, #tpu.memory_space<semaphore_mem>>, %arg20: memref<!tpu.dma_semaphore, #tpu.memory_space<semaphore_mem>>) attributes {dimension_semantics = [#tpu.dimension_semantics<core_parallel>, #tpu.dimension_semantics<subcore_parallel>], iteration_bounds = array<i64: 2, 16>, scalar_prefetch = 0 : i64, scratch_operands = 16 : i64, tpu.core_type = #tpu.core_type<sc_vector_subcore>, window_params = [{transform_indices = #map}, {transform_indices = #map1}, {transform_indices = #map}]} {
    %mul3A = arith.constant 2 : i32
    %mul3A_0 = arith.muli %arg1, %mul3A : i32
    %add3A = arith.addi %mul3A_0, %arg0 : i32
    %mul3A_1 = arith.constant 60 : i32
    %mul3A_2 = arith.muli %add3A, %mul3A_1 : i32
    %mul3A_3 = arith.constant 80 : i32
    %mul3A_4 = arith.muli %mul3A_2, %mul3A_3 : i32
    "tpu.region"() ({
      %run_scoped3A = tpu.sem_alloc : memref<!tpu.dma_semaphore, #tpu.memory_space<semaphore_mem>>
      %dma_start3A_38 = tpu.memref_slice %arg3[%mul3A_4] : memref<153600xi32, #tpu.memory_space<hbm>> -> memref<4800xi32, #tpu.memory_space<hbm>>
      %dma_start3A_39 = tpu.memref_slice %arg3[%mul3A_4] : memref<153600xi32, #tpu.memory_space<hbm>> -> memref<4800xi32, #tpu.memory_space<hbm>>
      tpu.enqueue_dma source(%dma_start3A_39 : memref<4800xi32, #tpu.memory_space<hbm>>) target(%arg5 : memref<4800xi32, #tpu.memory_space<vmem>>) target_semaphore(%run_scoped3A : memref<!tpu.dma_semaphore, #tpu.memory_space<semaphore_mem>>)
      %dma_wait3A = tpu.memref_slice %arg3[%mul3A_4] : memref<153600xi32, #tpu.memory_space<hbm>> -> memref<4800xi32, #tpu.memory_space<hbm>>
      %dma_wait3A_40 = tpu.memref_slice %arg3[%mul3A_4] : memref<153600xi32, #tpu.memory_space<hbm>> -> memref<4800xi32, #tpu.memory_space<hbm>>
      tpu.wait_dma2 semaphore(%run_scoped3A : memref<!tpu.dma_semaphore, #tpu.memory_space<semaphore_mem>>) src(%dma_wait3A_40 : memref<4800xi32, #tpu.memory_space<hbm>>) dst(%arg5 : memref<4800xi32, #tpu.memory_space<vmem>>)
      tpu.yield
    }) : () -> ()
    %multiple_of3A = arith.constant 0 : i32
    %multiple_of3A_5 = tpu.assume_multiple %multiple_of3A, 80 : i32
    %dma_start3A = tpu.memref_slice %arg5[%multiple_of3A_5] : memref<4800xi32, #tpu.memory_space<vmem>> -> memref<80xi32, #tpu.memory_space<vmem>>
    %dma_start3A_6 = arith.constant 0 : i32
    %dma_start3A_7 = arith.constant 0 : i32
    %dma_start3A_8 = tpu.memref_slice %arg2[%dma_start3A_6, %dma_start3A_7] : memref<10000x128xf32, #tpu.memory_space<hbm>> -> memref<10000x128xf32, #tpu.memory_space<hbm>>
    tpu.enqueue_indirect_dma source(%dma_start3A_8 : memref<10000x128xf32, #tpu.memory_space<hbm>>) target(%arg6 : memref<80x128xf32, #tpu.memory_space<vmem>>) offsets(%dma_start3A : memref<80xi32, #tpu.memory_space<vmem>>) semaphore(%arg11 : memref<!tpu.dma_semaphore, #tpu.memory_space<semaphore_mem>>)
    %multiple_of3A_9 = arith.constant 80 : i32
    %multiple_of3A_10 = tpu.assume_multiple %multiple_of3A_9, 80 : i32
    %dma_start3A_11 = tpu.memref_slice %arg5[%multiple_of3A_10] : memref<4800xi32, #tpu.memory_space<vmem>> -> memref<80xi32, #tpu.memory_space<vmem>>
    %dma_start3A_12 = arith.constant 0 : i32
    %dma_start3A_13 = arith.constant 0 : i32
    %dma_start3A_14 = tpu.memref_slice %arg2[%dma_start3A_12, %dma_start3A_13] : memref<10000x128xf32, #tpu.memory_space<hbm>> -> memref<10000x128xf32, #tpu.memory_space<hbm>>
    tpu.enqueue_indirect_dma source(%dma_start3A_14 : memref<10000x128xf32, #tpu.memory_space<hbm>>) target(%arg7 : memref<80x128xf32, #tpu.memory_space<vmem>>) offsets(%dma_start3A_11 : memref<80xi32, #tpu.memory_space<vmem>>) semaphore(%arg12 : memref<!tpu.dma_semaphore, #tpu.memory_space<semaphore_mem>>)
    %multiple_of3A_15 = arith.constant 160 : i32
    %multiple_of3A_16 = tpu.assume_multiple %multiple_of3A_15, 80 : i32
    %dma_start3A_17 = tpu.memref_slice %arg5[%multiple_of3A_16] : memref<4800xi32, #tpu.memory_space<vmem>> -> memref<80xi32, #tpu.memory_space<vmem>>
    %dma_start3A_18 = arith.constant 0 : i32
    %dma_start3A_19 = arith.constant 0 : i32
    %dma_start3A_20 = tpu.memref_slice %arg2[%dma_start3A_18, %dma_start3A_19] : memref<10000x128xf32, #tpu.memory_space<hbm>> -> memref<10000x128xf32, #tpu.memory_space<hbm>>
    tpu.enqueue_indirect_dma source(%dma_start3A_20 : memref<10000x128xf32, #tpu.memory_space<hbm>>) target(%arg8 : memref<80x128xf32, #tpu.memory_space<vmem>>) offsets(%dma_start3A_17 : memref<80xi32, #tpu.memory_space<vmem>>) semaphore(%arg13 : memref<!tpu.dma_semaphore, #tpu.memory_space<semaphore_mem>>)
    %multiple_of3A_21 = arith.constant 240 : i32
    %multiple_of3A_22 = tpu.assume_multiple %multiple_of3A_21, 80 : i32
    %dma_start3A_23 = tpu.memref_slice %arg5[%multiple_of3A_22] : memref<4800xi32, #tpu.memory_space<vmem>> -> memref<80xi32, #tpu.memory_space<vmem>>
    %dma_start3A_24 = arith.constant 0 : i32
    %dma_start3A_25 = arith.constant 0 : i32
    %dma_start3A_26 = tpu.memref_slice %arg2[%dma_start3A_24, %dma_start3A_25] : memref<10000x128xf32, #tpu.memory_space<hbm>> -> memref<10000x128xf32, #tpu.memory_space<hbm>>
    tpu.enqueue_indirect_dma source(%dma_start3A_26 : memref<10000x128xf32, #tpu.memory_space<hbm>>) target(%arg9 : memref<80x128xf32, #tpu.memory_space<vmem>>) offsets(%dma_start3A_23 : memref<80xi32, #tpu.memory_space<vmem>>) semaphore(%arg14 : memref<!tpu.dma_semaphore, #tpu.memory_space<semaphore_mem>>)
    %multiple_of3A_27 = arith.constant 320 : i32
    %multiple_of3A_28 = tpu.assume_multiple %multiple_of3A_27, 80 : i32
    %dma_start3A_29 = tpu.memref_slice %arg5[%multiple_of3A_28] : memref<4800xi32, #tpu.memory_space<vmem>> -> memref<80xi32, #tpu.memory_space<vmem>>
    %dma_start3A_30 = arith.constant 0 : i32
    %dma_start3A_31 = arith.constant 0 : i32
    %dma_start3A_32 = tpu.memref_slice %arg2[%dma_start3A_30, %dma_start3A_31] : memref<10000x128xf32, #tpu.memory_space<hbm>> -> memref<10000x128xf32, #tpu.memory_space<hbm>>
    tpu.enqueue_indirect_dma source(%dma_start3A_32 : memref<10000x128xf32, #tpu.memory_space<hbm>>) target(%arg10 : memref<80x128xf32, #tpu.memory_space<vmem>>) offsets(%dma_start3A_29 : memref<80xi32, #tpu.memory_space<vmem>>) semaphore(%arg15 : memref<!tpu.dma_semaphore, #tpu.memory_space<semaphore_mem>>)
    %scan3A = arith.constant 0 : i32
    %scan3A_33 = arith.constant 0 : i32
    %scan3A_34 = arith.constant 12 : i32
    %scan3A_35 = arith.addi %scan3A_33, %scan3A_34 : i32
    %scan3A_36 = arith.constant 1 : i32
    scf.for %scan3A_38 = %scan3A_33 to %scan3A_35 step %scan3A_36  : i32 {
      %mul3A_39 = arith.constant 5 : i32
      %mul3A_40 = arith.muli %scan3A_38, %mul3A_39 : i32
      %add3A_41 = arith.constant 0 : i32
      %add3A_42 = arith.addi %mul3A_40, %add3A_41 : i32
      %multiple_of3A_43 = arith.constant 0 : i32
      %multiple_of3A_44 = tpu.assume_multiple %multiple_of3A_43, 80 : i32
      %dma_wait3A = tpu.memref_slice %arg5[%multiple_of3A_44] : memref<4800xi32, #tpu.memory_space<vmem>> -> memref<80xi32, #tpu.memory_space<vmem>>
      %dma_wait3A_45 = arith.constant 0 : i32
      %dma_wait3A_46 = arith.constant 0 : i32
      %dma_wait3A_47 = tpu.memref_slice %arg2[%dma_wait3A_45, %dma_wait3A_46] : memref<10000x128xf32, #tpu.memory_space<hbm>> -> memref<10000x128xf32, #tpu.memory_space<hbm>>
      tpu.wait_indirect_dma semaphore(%arg11 : memref<!tpu.dma_semaphore, #tpu.memory_space<semaphore_mem>>) src(%dma_wait3A_47 : memref<10000x128xf32, #tpu.memory_space<hbm>>) dst(%arg6 : memref<80x128xf32, #tpu.memory_space<vmem>>)
      %add3A_48 = arith.addi %mul3A_2, %add3A_42 : i32
      %mul3A_49 = arith.constant 80 : i32
      %mul3A_50 = arith.muli %add3A_48, %mul3A_49 : i32
      %multiple_of3A_51 = tpu.assume_multiple %mul3A_50, 80 : i32
      %dma_start3A_52 = arith.constant 0 : i32
      %dma_start3A_53 = tpu.memref_slice %arg4[%multiple_of3A_51, %dma_start3A_52] : memref<153600x128xf32, #tpu.memory_space<hbm>> -> memref<80x128xf32, #tpu.memory_space<hbm>>
      %dma_start3A_54 = arith.constant 0 : i32
      %dma_start3A_55 = tpu.memref_slice %arg4[%multiple_of3A_51, %dma_start3A_54] : memref<153600x128xf32, #tpu.memory_space<hbm>> -> memref<80x128xf32, #tpu.memory_space<hbm>>
      tpu.enqueue_dma source(%arg6 : memref<80x128xf32, #tpu.memory_space<vmem>>) target(%dma_start3A_55 : memref<80x128xf32, #tpu.memory_space<hbm>>) target_semaphore(%arg16 : memref<!tpu.dma_semaphore, #tpu.memory_space<semaphore_mem>>)
      %dma_wait3A_56 = arith.constant 0 : i32
      %dma_wait3A_57 = tpu.memref_slice %arg4[%multiple_of3A_51, %dma_wait3A_56] : memref<153600x128xf32, #tpu.memory_space<hbm>> -> memref<80x128xf32, #tpu.memory_space<hbm>>
      %dma_wait3A_58 = arith.constant 0 : i32
      %dma_wait3A_59 = tpu.memref_slice %arg4[%multiple_of3A_51, %dma_wait3A_58] : memref<153600x128xf32, #tpu.memory_space<hbm>> -> memref<80x128xf32, #tpu.memory_space<hbm>>
      tpu.wait_dma2 semaphore(%arg16 : memref<!tpu.dma_semaphore, #tpu.memory_space<semaphore_mem>>) src(%arg6 : memref<80x128xf32, #tpu.memory_space<vmem>>) dst(%dma_wait3A_59 : memref<80x128xf32, #tpu.memory_space<hbm>>)
      %add3A_60 = arith.constant 5 : i32
      %add3A_61 = arith.addi %add3A_42, %add3A_60 : i32
      %lt3A = arith.constant 60 : i32
      %lt3A_62 = arith.cmpi slt, %add3A_61, %lt3A : i32
      %convert_element_type3A = arith.extui %lt3A_62 : i1 to i32
      %cond3A = arith.constant 0 : i32
      %cond3A_63 = arith.cmpi ne, %convert_element_type3A, %cond3A : i32
      scf.if %cond3A_63 {
        %add3A_180 = arith.constant 5 : i32
        %add3A_181 = arith.addi %add3A_42, %add3A_180 : i32
        %mul3A_182 = arith.constant 80 : i32
        %mul3A_183 = arith.muli %add3A_181, %mul3A_182 : i32
        %multiple_of3A_184 = tpu.assume_multiple %mul3A_183, 80 : i32
        %dma_start3A_185 = tpu.memref_slice %arg5[%multiple_of3A_184] : memref<4800xi32, #tpu.memory_space<vmem>> -> memref<80xi32, #tpu.memory_space<vmem>>
        %dma_start3A_186 = arith.constant 0 : i32
        %dma_start3A_187 = arith.constant 0 : i32
        %dma_start3A_188 = tpu.memref_slice %arg2[%dma_start3A_186, %dma_start3A_187] : memref<10000x128xf32, #tpu.memory_space<hbm>> -> memref<10000x128xf32, #tpu.memory_space<hbm>>
        tpu.enqueue_indirect_dma source(%dma_start3A_188 : memref<10000x128xf32, #tpu.memory_space<hbm>>) target(%arg6 : memref<80x128xf32, #tpu.memory_space<vmem>>) offsets(%dma_start3A_185 : memref<80xi32, #tpu.memory_space<vmem>>) semaphore(%arg11 : memref<!tpu.dma_semaphore, #tpu.memory_space<semaphore_mem>>)
      } else {
      }
      %mul3A_64 = arith.constant 5 : i32
      %mul3A_65 = arith.muli %scan3A_38, %mul3A_64 : i32
      %add3A_66 = arith.constant 1 : i32
      %add3A_67 = arith.addi %mul3A_65, %add3A_66 : i32
      %multiple_of3A_68 = arith.constant 80 : i32
      %multiple_of3A_69 = tpu.assume_multiple %multiple_of3A_68, 80 : i32
      %dma_wait3A_70 = tpu.memref_slice %arg5[%multiple_of3A_69] : memref<4800xi32, #tpu.memory_space<vmem>> -> memref<80xi32, #tpu.memory_space<vmem>>
      %dma_wait3A_71 = arith.constant 0 : i32
      %dma_wait3A_72 = arith.constant 0 : i32
      %dma_wait3A_73 = tpu.memref_slice %arg2[%dma_wait3A_71, %dma_wait3A_72] : memref<10000x128xf32, #tpu.memory_space<hbm>> -> memref<10000x128xf32, #tpu.memory_space<hbm>>
      tpu.wait_indirect_dma semaphore(%arg12 : memref<!tpu.dma_semaphore, #tpu.memory_space<semaphore_mem>>) src(%dma_wait3A_73 : memref<10000x128xf32, #tpu.memory_space<hbm>>) dst(%arg7 : memref<80x128xf32, #tpu.memory_space<vmem>>)
      %add3A_74 = arith.addi %mul3A_2, %add3A_67 : i32
      %mul3A_75 = arith.constant 80 : i32
      %mul3A_76 = arith.muli %add3A_74, %mul3A_75 : i32
      %multiple_of3A_77 = tpu.assume_multiple %mul3A_76, 80 : i32
      %dma_start3A_78 = arith.constant 0 : i32
      %dma_start3A_79 = tpu.memref_slice %arg4[%multiple_of3A_77, %dma_start3A_78] : memref<153600x128xf32, #tpu.memory_space<hbm>> -> memref<80x128xf32, #tpu.memory_space<hbm>>
      %dma_start3A_80 = arith.constant 0 : i32
      %dma_start3A_81 = tpu.memref_slice %arg4[%multiple_of3A_77, %dma_start3A_80] : memref<153600x128xf32, #tpu.memory_space<hbm>> -> memref<80x128xf32, #tpu.memory_space<hbm>>
      tpu.enqueue_dma source(%arg7 : memref<80x128xf32, #tpu.memory_space<vmem>>) target(%dma_start3A_81 : memref<80x128xf32, #tpu.memory_space<hbm>>) target_semaphore(%arg17 : memref<!tpu.dma_semaphore, #tpu.memory_space<semaphore_mem>>)
      %dma_wait3A_82 = arith.constant 0 : i32
      %dma_wait3A_83 = tpu.memref_slice %arg4[%multiple_of3A_77, %dma_wait3A_82] : memref<153600x128xf32, #tpu.memory_space<hbm>> -> memref<80x128xf32, #tpu.memory_space<hbm>>
      %dma_wait3A_84 = arith.constant 0 : i32
      %dma_wait3A_85 = tpu.memref_slice %arg4[%multiple_of3A_77, %dma_wait3A_84] : memref<153600x128xf32, #tpu.memory_space<hbm>> -> memref<80x128xf32, #tpu.memory_space<hbm>>
      tpu.wait_dma2 semaphore(%arg17 : memref<!tpu.dma_semaphore, #tpu.memory_space<semaphore_mem>>) src(%arg7 : memref<80x128xf32, #tpu.memory_space<vmem>>) dst(%dma_wait3A_85 : memref<80x128xf32, #tpu.memory_space<hbm>>)
      %add3A_86 = arith.constant 5 : i32
      %add3A_87 = arith.addi %add3A_67, %add3A_86 : i32
      %lt3A_88 = arith.constant 60 : i32
      %lt3A_89 = arith.cmpi slt, %add3A_87, %lt3A_88 : i32
      %convert_element_type3A_90 = arith.extui %lt3A_89 : i1 to i32
      %cond3A_91 = arith.constant 0 : i32
      %cond3A_92 = arith.cmpi ne, %convert_element_type3A_90, %cond3A_91 : i32
      scf.if %cond3A_92 {
        %add3A_180 = arith.constant 5 : i32
        %add3A_181 = arith.addi %add3A_67, %add3A_180 : i32
        %mul3A_182 = arith.constant 80 : i32
        %mul3A_183 = arith.muli %add3A_181, %mul3A_182 : i32
        %multiple_of3A_184 = tpu.assume_multiple %mul3A_183, 80 : i32
        %dma_start3A_185 = tpu.memref_slice %arg5[%multiple_of3A_184] : memref<4800xi32, #tpu.memory_space<vmem>> -> memref<80xi32, #tpu.memory_space<vmem>>
        %dma_start3A_186 = arith.constant 0 : i32
        %dma_start3A_187 = arith.constant 0 : i32
        %dma_start3A_188 = tpu.memref_slice %arg2[%dma_start3A_186, %dma_start3A_187] : memref<10000x128xf32, #tpu.memory_space<hbm>> -> memref<10000x128xf32, #tpu.memory_space<hbm>>
        tpu.enqueue_indirect_dma source(%dma_start3A_188 : memref<10000x128xf32, #tpu.memory_space<hbm>>) target(%arg7 : memref<80x128xf32, #tpu.memory_space<vmem>>) offsets(%dma_start3A_185 : memref<80xi32, #tpu.memory_space<vmem>>) semaphore(%arg12 : memref<!tpu.dma_semaphore, #tpu.memory_space<semaphore_mem>>)
      } else {
      }
      %mul3A_93 = arith.constant 5 : i32
      %mul3A_94 = arith.muli %scan3A_38, %mul3A_93 : i32
      %add3A_95 = arith.constant 2 : i32
      %add3A_96 = arith.addi %mul3A_94, %add3A_95 : i32
      %multiple_of3A_97 = arith.constant 160 : i32
      %multiple_of3A_98 = tpu.assume_multiple %multiple_of3A_97, 80 : i32
      %dma_wait3A_99 = tpu.memref_slice %arg5[%multiple_of3A_98] : memref<4800xi32, #tpu.memory_space<vmem>> -> memref<80xi32, #tpu.memory_space<vmem>>
      %dma_wait3A_100 = arith.constant 0 : i32
      %dma_wait3A_101 = arith.constant 0 : i32
      %dma_wait3A_102 = tpu.memref_slice %arg2[%dma_wait3A_100, %dma_wait3A_101] : memref<10000x128xf32, #tpu.memory_space<hbm>> -> memref<10000x128xf32, #tpu.memory_space<hbm>>
      tpu.wait_indirect_dma semaphore(%arg13 : memref<!tpu.dma_semaphore, #tpu.memory_space<semaphore_mem>>) src(%dma_wait3A_102 : memref<10000x128xf32, #tpu.memory_space<hbm>>) dst(%arg8 : memref<80x128xf32, #tpu.memory_space<vmem>>)
      %add3A_103 = arith.addi %mul3A_2, %add3A_96 : i32
      %mul3A_104 = arith.constant 80 : i32
      %mul3A_105 = arith.muli %add3A_103, %mul3A_104 : i32
      %multiple_of3A_106 = tpu.assume_multiple %mul3A_105, 80 : i32
      %dma_start3A_107 = arith.constant 0 : i32
      %dma_start3A_108 = tpu.memref_slice %arg4[%multiple_of3A_106, %dma_start3A_107] : memref<153600x128xf32, #tpu.memory_space<hbm>> -> memref<80x128xf32, #tpu.memory_space<hbm>>
      %dma_start3A_109 = arith.constant 0 : i32
      %dma_start3A_110 = tpu.memref_slice %arg4[%multiple_of3A_106, %dma_start3A_109] : memref<153600x128xf32, #tpu.memory_space<hbm>> -> memref<80x128xf32, #tpu.memory_space<hbm>>
      tpu.enqueue_dma source(%arg8 : memref<80x128xf32, #tpu.memory_space<vmem>>) target(%dma_start3A_110 : memref<80x128xf32, #tpu.memory_space<hbm>>) target_semaphore(%arg18 : memref<!tpu.dma_semaphore, #tpu.memory_space<semaphore_mem>>)
      %dma_wait3A_111 = arith.constant 0 : i32
      %dma_wait3A_112 = tpu.memref_slice %arg4[%multiple_of3A_106, %dma_wait3A_111] : memref<153600x128xf32, #tpu.memory_space<hbm>> -> memref<80x128xf32, #tpu.memory_space<hbm>>
      %dma_wait3A_113 = arith.constant 0 : i32
      %dma_wait3A_114 = tpu.memref_slice %arg4[%multiple_of3A_106, %dma_wait3A_113] : memref<153600x128xf32, #tpu.memory_space<hbm>> -> memref<80x128xf32, #tpu.memory_space<hbm>>
      tpu.wait_dma2 semaphore(%arg18 : memref<!tpu.dma_semaphore, #tpu.memory_space<semaphore_mem>>) src(%arg8 : memref<80x128xf32, #tpu.memory_space<vmem>>) dst(%dma_wait3A_114 : memref<80x128xf32, #tpu.memory_space<hbm>>)
      %add3A_115 = arith.constant 5 : i32
      %add3A_116 = arith.addi %add3A_96, %add3A_115 : i32
      %lt3A_117 = arith.constant 60 : i32
      %lt3A_118 = arith.cmpi slt, %add3A_116, %lt3A_117 : i32
      %convert_element_type3A_119 = arith.extui %lt3A_118 : i1 to i32
      %cond3A_120 = arith.constant 0 : i32
      %cond3A_121 = arith.cmpi ne, %convert_element_type3A_119, %cond3A_120 : i32
      scf.if %cond3A_121 {
        %add3A_180 = arith.constant 5 : i32
        %add3A_181 = arith.addi %add3A_96, %add3A_180 : i32
        %mul3A_182 = arith.constant 80 : i32
        %mul3A_183 = arith.muli %add3A_181, %mul3A_182 : i32
        %multiple_of3A_184 = tpu.assume_multiple %mul3A_183, 80 : i32
        %dma_start3A_185 = tpu.memref_slice %arg5[%multiple_of3A_184] : memref<4800xi32, #tpu.memory_space<vmem>> -> memref<80xi32, #tpu.memory_space<vmem>>
        %dma_start3A_186 = arith.constant 0 : i32
        %dma_start3A_187 = arith.constant 0 : i32
        %dma_start3A_188 = tpu.memref_slice %arg2[%dma_start3A_186, %dma_start3A_187] : memref<10000x128xf32, #tpu.memory_space<hbm>> -> memref<10000x128xf32, #tpu.memory_space<hbm>>
        tpu.enqueue_indirect_dma source(%dma_start3A_188 : memref<10000x128xf32, #tpu.memory_space<hbm>>) target(%arg8 : memref<80x128xf32, #tpu.memory_space<vmem>>) offsets(%dma_start3A_185 : memref<80xi32, #tpu.memory_space<vmem>>) semaphore(%arg13 : memref<!tpu.dma_semaphore, #tpu.memory_space<semaphore_mem>>)
      } else {
      }
      %mul3A_122 = arith.constant 5 : i32
      %mul3A_123 = arith.muli %scan3A_38, %mul3A_122 : i32
      %add3A_124 = arith.constant 3 : i32
      %add3A_125 = arith.addi %mul3A_123, %add3A_124 : i32
      %multiple_of3A_126 = arith.constant 240 : i32
      %multiple_of3A_127 = tpu.assume_multiple %multiple_of3A_126, 80 : i32
      %dma_wait3A_128 = tpu.memref_slice %arg5[%multiple_of3A_127] : memref<4800xi32, #tpu.memory_space<vmem>> -> memref<80xi32, #tpu.memory_space<vmem>>
      %dma_wait3A_129 = arith.constant 0 : i32
      %dma_wait3A_130 = arith.constant 0 : i32
      %dma_wait3A_131 = tpu.memref_slice %arg2[%dma_wait3A_129, %dma_wait3A_130] : memref<10000x128xf32, #tpu.memory_space<hbm>> -> memref<10000x128xf32, #tpu.memory_space<hbm>>
      tpu.wait_indirect_dma semaphore(%arg14 : memref<!tpu.dma_semaphore, #tpu.memory_space<semaphore_mem>>) src(%dma_wait3A_131 : memref<10000x128xf32, #tpu.memory_space<hbm>>) dst(%arg9 : memref<80x128xf32, #tpu.memory_space<vmem>>)
      %add3A_132 = arith.addi %mul3A_2, %add3A_125 : i32
      %mul3A_133 = arith.constant 80 : i32
      %mul3A_134 = arith.muli %add3A_132, %mul3A_133 : i32
      %multiple_of3A_135 = tpu.assume_multiple %mul3A_134, 80 : i32
      %dma_start3A_136 = arith.constant 0 : i32
      %dma_start3A_137 = tpu.memref_slice %arg4[%multiple_of3A_135, %dma_start3A_136] : memref<153600x128xf32, #tpu.memory_space<hbm>> -> memref<80x128xf32, #tpu.memory_space<hbm>>
      %dma_start3A_138 = arith.constant 0 : i32
      %dma_start3A_139 = tpu.memref_slice %arg4[%multiple_of3A_135, %dma_start3A_138] : memref<153600x128xf32, #tpu.memory_space<hbm>> -> memref<80x128xf32, #tpu.memory_space<hbm>>
      tpu.enqueue_dma source(%arg9 : memref<80x128xf32, #tpu.memory_space<vmem>>) target(%dma_start3A_139 : memref<80x128xf32, #tpu.memory_space<hbm>>) target_semaphore(%arg19 : memref<!tpu.dma_semaphore, #tpu.memory_space<semaphore_mem>>)
      %dma_wait3A_140 = arith.constant 0 : i32
      %dma_wait3A_141 = tpu.memref_slice %arg4[%multiple_of3A_135, %dma_wait3A_140] : memref<153600x128xf32, #tpu.memory_space<hbm>> -> memref<80x128xf32, #tpu.memory_space<hbm>>
      %dma_wait3A_142 = arith.constant 0 : i32
      %dma_wait3A_143 = tpu.memref_slice %arg4[%multiple_of3A_135, %dma_wait3A_142] : memref<153600x128xf32, #tpu.memory_space<hbm>> -> memref<80x128xf32, #tpu.memory_space<hbm>>
      tpu.wait_dma2 semaphore(%arg19 : memref<!tpu.dma_semaphore, #tpu.memory_space<semaphore_mem>>) src(%arg9 : memref<80x128xf32, #tpu.memory_space<vmem>>) dst(%dma_wait3A_143 : memref<80x128xf32, #tpu.memory_space<hbm>>)
      %add3A_144 = arith.constant 5 : i32
      %add3A_145 = arith.addi %add3A_125, %add3A_144 : i32
      %lt3A_146 = arith.constant 60 : i32
      %lt3A_147 = arith.cmpi slt, %add3A_145, %lt3A_146 : i32
      %convert_element_type3A_148 = arith.extui %lt3A_147 : i1 to i32
      %cond3A_149 = arith.constant 0 : i32
      %cond3A_150 = arith.cmpi ne, %convert_element_type3A_148, %cond3A_149 : i32
      scf.if %cond3A_150 {
        %add3A_180 = arith.constant 5 : i32
        %add3A_181 = arith.addi %add3A_125, %add3A_180 : i32
        %mul3A_182 = arith.constant 80 : i32
        %mul3A_183 = arith.muli %add3A_181, %mul3A_182 : i32
        %multiple_of3A_184 = tpu.assume_multiple %mul3A_183, 80 : i32
        %dma_start3A_185 = tpu.memref_slice %arg5[%multiple_of3A_184] : memref<4800xi32, #tpu.memory_space<vmem>> -> memref<80xi32, #tpu.memory_space<vmem>>
        %dma_start3A_186 = arith.constant 0 : i32
        %dma_start3A_187 = arith.constant 0 : i32
        %dma_start3A_188 = tpu.memref_slice %arg2[%dma_start3A_186, %dma_start3A_187] : memref<10000x128xf32, #tpu.memory_space<hbm>> -> memref<10000x128xf32, #tpu.memory_space<hbm>>
        tpu.enqueue_indirect_dma source(%dma_start3A_188 : memref<10000x128xf32, #tpu.memory_space<hbm>>) target(%arg9 : memref<80x128xf32, #tpu.memory_space<vmem>>) offsets(%dma_start3A_185 : memref<80xi32, #tpu.memory_space<vmem>>) semaphore(%arg14 : memref<!tpu.dma_semaphore, #tpu.memory_space<semaphore_mem>>)
      } else {
      }
      %mul3A_151 = arith.constant 5 : i32
      %mul3A_152 = arith.muli %scan3A_38, %mul3A_151 : i32
      %add3A_153 = arith.constant 4 : i32
      %add3A_154 = arith.addi %mul3A_152, %add3A_153 : i32
      %multiple_of3A_155 = arith.constant 320 : i32
      %multiple_of3A_156 = tpu.assume_multiple %multiple_of3A_155, 80 : i32
      %dma_wait3A_157 = tpu.memref_slice %arg5[%multiple_of3A_156] : memref<4800xi32, #tpu.memory_space<vmem>> -> memref<80xi32, #tpu.memory_space<vmem>>
      %dma_wait3A_158 = arith.constant 0 : i32
      %dma_wait3A_159 = arith.constant 0 : i32
      %dma_wait3A_160 = tpu.memref_slice %arg2[%dma_wait3A_158, %dma_wait3A_159] : memref<10000x128xf32, #tpu.memory_space<hbm>> -> memref<10000x128xf32, #tpu.memory_space<hbm>>
      tpu.wait_indirect_dma semaphore(%arg15 : memref<!tpu.dma_semaphore, #tpu.memory_space<semaphore_mem>>) src(%dma_wait3A_160 : memref<10000x128xf32, #tpu.memory_space<hbm>>) dst(%arg10 : memref<80x128xf32, #tpu.memory_space<vmem>>)
      %add3A_161 = arith.addi %mul3A_2, %add3A_154 : i32
      %mul3A_162 = arith.constant 80 : i32
      %mul3A_163 = arith.muli %add3A_161, %mul3A_162 : i32
      %multiple_of3A_164 = tpu.assume_multiple %mul3A_163, 80 : i32
      %dma_start3A_165 = arith.constant 0 : i32
      %dma_start3A_166 = tpu.memref_slice %arg4[%multiple_of3A_164, %dma_start3A_165] : memref<153600x128xf32, #tpu.memory_space<hbm>> -> memref<80x128xf32, #tpu.memory_space<hbm>>
      %dma_start3A_167 = arith.constant 0 : i32
      %dma_start3A_168 = tpu.memref_slice %arg4[%multiple_of3A_164, %dma_start3A_167] : memref<153600x128xf32, #tpu.memory_space<hbm>> -> memref<80x128xf32, #tpu.memory_space<hbm>>
      tpu.enqueue_dma source(%arg10 : memref<80x128xf32, #tpu.memory_space<vmem>>) target(%dma_start3A_168 : memref<80x128xf32, #tpu.memory_space<hbm>>) target_semaphore(%arg20 : memref<!tpu.dma_semaphore, #tpu.memory_space<semaphore_mem>>)
      %dma_wait3A_169 = arith.constant 0 : i32
      %dma_wait3A_170 = tpu.memref_slice %arg4[%multiple_of3A_164, %dma_wait3A_169] : memref<153600x128xf32, #tpu.memory_space<hbm>> -> memref<80x128xf32, #tpu.memory_space<hbm>>
      %dma_wait3A_171 = arith.constant 0 : i32
      %dma_wait3A_172 = tpu.memref_slice %arg4[%multiple_of3A_164, %dma_wait3A_171] : memref<153600x128xf32, #tpu.memory_space<hbm>> -> memref<80x128xf32, #tpu.memory_space<hbm>>
      tpu.wait_dma2 semaphore(%arg20 : memref<!tpu.dma_semaphore, #tpu.memory_space<semaphore_mem>>) src(%arg10 : memref<80x128xf32, #tpu.memory_space<vmem>>) dst(%dma_wait3A_172 : memref<80x128xf32, #tpu.memory_space<hbm>>)
      %add3A_173 = arith.constant 5 : i32
      %add3A_174 = arith.addi %add3A_154, %add3A_173 : i32
      %lt3A_175 = arith.constant 60 : i32
      %lt3A_176 = arith.cmpi slt, %add3A_174, %lt3A_175 : i32
      %convert_element_type3A_177 = arith.extui %lt3A_176 : i1 to i32
      %cond3A_178 = arith.constant 0 : i32
      %cond3A_179 = arith.cmpi ne, %convert_element_type3A_177, %cond3A_178 : i32
      scf.if %cond3A_179 {
        %add3A_180 = arith.constant 5 : i32
        %add3A_181 = arith.addi %add3A_154, %add3A_180 : i32
        %mul3A_182 = arith.constant 80 : i32
        %mul3A_183 = arith.muli %add3A_181, %mul3A_182 : i32
        %multiple_of3A_184 = tpu.assume_multiple %mul3A_183, 80 : i32
        %dma_start3A_185 = tpu.memref_slice %arg5[%multiple_of3A_184] : memref<4800xi32, #tpu.memory_space<vmem>> -> memref<80xi32, #tpu.memory_space<vmem>>
        %dma_start3A_186 = arith.constant 0 : i32
        %dma_start3A_187 = arith.constant 0 : i32
        %dma_start3A_188 = tpu.memref_slice %arg2[%dma_start3A_186, %dma_start3A_187] : memref<10000x128xf32, #tpu.memory_space<hbm>> -> memref<10000x128xf32, #tpu.memory_space<hbm>>
        tpu.enqueue_indirect_dma source(%dma_start3A_188 : memref<10000x128xf32, #tpu.memory_space<hbm>>) target(%arg10 : memref<80x128xf32, #tpu.memory_space<vmem>>) offsets(%dma_start3A_185 : memref<80xi32, #tpu.memory_space<vmem>>) semaphore(%arg15 : memref<!tpu.dma_semaphore, #tpu.memory_space<semaphore_mem>>)
      } else {
      }
    }
    %scan3A_37 = arith.constant 12 : i32
    return
  }
}

module attributes {stable_mosaic.version = 14 : i64} {
  func.func @_stats_kernel(%arg0: i32, %arg1: memref<400x128xf32, #tpu.memory_space<vmem>>, %arg2: memref<400x32x128xf32, #tpu.memory_space<vmem>>, %arg3: memref<16x12800xf32, #tpu.memory_space<vmem>>, %arg4: memref<128x256xf32, #tpu.memory_space<vmem>>, %arg5: memref<128x256xf32, #tpu.memory_space<vmem>>, %arg6: memref<16x256xf32, #tpu.memory_space<vmem>>, %arg7: memref<1x256xf32, #tpu.memory_space<vmem>>, %arg8: memref<1x256xf32, #tpu.memory_space<vmem>>, %arg9: memref<1x256xf32, #tpu.memory_space<vmem>>) attributes {dimension_semantics = [#tpu.dimension_semantics<arbitrary>], iteration_bounds = array<i64: 13>, scalar_prefetch = 0 : i64, scratch_operands = 0 : i64, tpu.core_type = #tpu.core_type<tc>, window_params = [{transform_indices = @transform_0, window_bounds = array<i64: 400, 128>}, {transform_indices = @transform_1, window_bounds = array<i64: 400, 32, 128>}, {transform_indices = @transform_2, window_bounds = array<i64: 16, 12800>}, {pipeline_mode = #tpu.pipeline_mode<synchronous>, transform_indices = @transform_3, window_bounds = array<i64: 128, 256>}, {pipeline_mode = #tpu.pipeline_mode<synchronous>, transform_indices = @transform_4, window_bounds = array<i64: 128, 256>}, {pipeline_mode = #tpu.pipeline_mode<synchronous>, transform_indices = @transform_5, window_bounds = array<i64: 16, 256>}, {pipeline_mode = #tpu.pipeline_mode<synchronous>, transform_indices = @transform_6, window_bounds = array<i64: 1, 256>}, {pipeline_mode = #tpu.pipeline_mode<synchronous>, transform_indices = @transform_7, window_bounds = array<i64: 1, 256>}, {pipeline_mode = #tpu.pipeline_mode<synchronous>, transform_indices = @transform_8, window_bounds = array<i64: 1, 256>}]} {
    %get3A = arith.constant 0 : index
    %get3A_0 = arith.constant 0 : index
    %get3A_1 = vector.load %arg1[%get3A, %get3A_0] : memref<400x128xf32, #tpu.memory_space<vmem>>, vector<400x128xf32>
    %get3A_2 = arith.constant 0 : index
    %get3A_3 = arith.constant 0 : index
    %get3A_4 = vector.load %arg4[%get3A_2, %get3A_3] : memref<128x256xf32, #tpu.memory_space<vmem>>, vector<128x256xf32>
    %dot_general3A = arith.constant dense<0.000000e+00> : vector<400x256xf32>
    %dot_general3A_5 = tpu.matmul %get3A_1, %get3A_4, %dot_general3A {dimension_numbers = #tpu.dot_dimension_numbers<[1], [0], [0], [1], [0, 0, 1, 1], [], []>, transpose_lhs_hint = false} : vector<400x128xf32>, vector<128x256xf32>, vector<400x256xf32> -> vector<400x256xf32>
    %get3A_6 = arith.constant 0 : index
    %get3A_7 = arith.constant 0 : index
    %get3A_8 = vector.load %arg7[%get3A_6, %get3A_7] : memref<1x256xf32, #tpu.memory_space<vmem>>, vector<1x256xf32>
    %add3A = vector.broadcast %get3A_8 : vector<1x256xf32> to vector<400x256xf32>
    %add3A_9 = arith.addf %dot_general3A_5, %add3A : vector<400x256xf32>
    %get3A_10 = arith.constant 0 : index
    %get3A_11 = arith.constant 0 : index
    %get3A_12 = arith.constant 0 : index
    %get3A_13 = vector.load %arg2[%get3A_10, %get3A_11, %get3A_12] : memref<400x32x128xf32, #tpu.memory_space<vmem>>, vector<400x32x128xf32>
    %reshape3A = vector.shape_cast %get3A_13 : vector<400x32x128xf32> to vector<12800x128xf32>
    %get3A_14 = arith.constant 0 : index
    %get3A_15 = arith.constant 0 : index
    %get3A_16 = vector.load %arg5[%get3A_14, %get3A_15] : memref<128x256xf32, #tpu.memory_space<vmem>>, vector<128x256xf32>
    %dot_general3A_17 = arith.constant dense<0.000000e+00> : vector<12800x256xf32>
    %dot_general3A_18 = tpu.matmul %reshape3A, %get3A_16, %dot_general3A_17 {dimension_numbers = #tpu.dot_dimension_numbers<[1], [0], [0], [1], [0, 0, 1, 1], [], []>, transpose_lhs_hint = false} : vector<12800x128xf32>, vector<128x256xf32>, vector<12800x256xf32> -> vector<12800x256xf32>
    %reshape3A_19 = vector.shape_cast %dot_general3A_18 : vector<12800x256xf32> to vector<400x32x256xf32>
    %get3A_20 = arith.constant 0 : index
    %get3A_21 = arith.constant 0 : index
    %get3A_22 = vector.load %arg3[%get3A_20, %get3A_21] : memref<16x12800xf32, #tpu.memory_space<vmem>>, vector<16x12800xf32>
    %get3A_23 = arith.constant 0 : index
    %get3A_24 = arith.constant 0 : index
    %get3A_25 = vector.load %arg6[%get3A_23, %get3A_24] : memref<16x256xf32, #tpu.memory_space<vmem>>, vector<16x256xf32>
    %dot_general3A_26 = arith.constant dense<0.000000e+00> : vector<12800x256xf32>
    %dot_general3A_27 = tpu.matmul %get3A_22, %get3A_25, %dot_general3A_26 {dimension_numbers = #tpu.dot_dimension_numbers<[0], [0], [1], [1], [0, 1, 1, 1], [], []>, transpose_lhs_hint = false} : vector<16x12800xf32>, vector<16x256xf32>, vector<12800x256xf32> -> vector<12800x256xf32>
    %reshape3A_28 = vector.shape_cast %dot_general3A_27 : vector<12800x256xf32> to vector<400x32x256xf32>
    %broadcast_in_dim3A = vector.shape_cast %add3A_9 : vector<400x256xf32> to vector<400x1x256xf32>
    %add3A_29 = vector.broadcast %broadcast_in_dim3A : vector<400x1x256xf32> to vector<400x32x256xf32>
    %add3A_30 = arith.addf %add3A_29, %reshape3A_19 : vector<400x32x256xf32>
    %add3A_31 = arith.addf %add3A_30, %reshape3A_28 : vector<400x32x256xf32>
    %reduce_sum3A = arith.constant dense<0.000000e+00> : vector<256xf32>
    %reduce_sum3A_32 = vector.multi_reduction <add>, %add3A_31, %reduce_sum3A [0, 1] : vector<400x32x256xf32> to vector<256xf32>
    %broadcast_in_dim3A_33 = vector.shape_cast %reduce_sum3A_32 : vector<256xf32> to vector<1x256xf32>
    %mul3A = arith.mulf %add3A_31, %add3A_31 : vector<400x32x256xf32>
    %reduce_sum3A_34 = arith.constant dense<0.000000e+00> : vector<256xf32>
    %reduce_sum3A_35 = vector.multi_reduction <add>, %mul3A, %reduce_sum3A_34 [0, 1] : vector<400x32x256xf32> to vector<256xf32>
    %broadcast_in_dim3A_36 = vector.shape_cast %reduce_sum3A_35 : vector<256xf32> to vector<1x256xf32>
    %eq3A = arith.constant 0 : i32
    %eq3A_37 = arith.cmpi eq, %arg0, %eq3A : i32
    %convert_element_type3A = arith.extui %eq3A_37 : i1 to i32
    %cond3A = arith.constant 0 : i32
    %cond3A_38 = arith.cmpi ne, %convert_element_type3A, %cond3A : i32
    scf.if %cond3A_38 {
      %broadcast_in_dim3A_52 = arith.constant 0.000000e+00 : f32
      %broadcast_in_dim3A_53 = vector.broadcast %broadcast_in_dim3A_52 : f32 to vector<1x256xf32>
      %swap3A_54 = arith.constant 0 : index
      %swap3A_55 = arith.constant 0 : index
      %swap3A_56 = vector.load %arg8[%swap3A_54, %swap3A_55] : memref<1x256xf32, #tpu.memory_space<vmem>>, vector<1x256xf32>
      tpu.vector_store %arg8[%swap3A_54, %swap3A_55], %broadcast_in_dim3A_53 {strides = array<i32>} : memref<1x256xf32, #tpu.memory_space<vmem>>, vector<1x256xf32>,
      %broadcast_in_dim3A_57 = arith.constant 0.000000e+00 : f32
      %broadcast_in_dim3A_58 = vector.broadcast %broadcast_in_dim3A_57 : f32 to vector<1x256xf32>
      %swap3A_59 = arith.constant 0 : index
      %swap3A_60 = arith.constant 0 : index
      %swap3A_61 = vector.load %arg9[%swap3A_59, %swap3A_60] : memref<1x256xf32, #tpu.memory_space<vmem>>, vector<1x256xf32>
      tpu.vector_store %arg9[%swap3A_59, %swap3A_60], %broadcast_in_dim3A_58 {strides = array<i32>} : memref<1x256xf32, #tpu.memory_space<vmem>>, vector<1x256xf32>,
    } else {
    }
    %get3A_39 = arith.constant 0 : index
    %get3A_40 = arith.constant 0 : index
    %get3A_41 = vector.load %arg8[%get3A_39, %get3A_40] : memref<1x256xf32, #tpu.memory_space<vmem>>, vector<1x256xf32>
    %add3A_42 = arith.addf %get3A_41, %broadcast_in_dim3A_33 : vector<1x256xf32>
    %swap3A = arith.constant 0 : index
    %swap3A_43 = arith.constant 0 : index
    %swap3A_44 = vector.load %arg8[%swap3A, %swap3A_43] : memref<1x256xf32, #tpu.memory_space<vmem>>, vector<1x256xf32>
    tpu.vector_store %arg8[%swap3A, %swap3A_43], %add3A_42 {strides = array<i32>} : memref<1x256xf32, #tpu.memory_space<vmem>>, vector<1x256xf32>,
    %get3A_45 = arith.constant 0 : index
    %get3A_46 = arith.constant 0 : index
    %get3A_47 = vector.load %arg9[%get3A_45, %get3A_46] : memref<1x256xf32, #tpu.memory_space<vmem>>, vector<1x256xf32>
    %add3A_48 = arith.addf %get3A_47, %broadcast_in_dim3A_36 : vector<1x256xf32>
    %swap3A_49 = arith.constant 0 : index
    %swap3A_50 = arith.constant 0 : index
    %swap3A_51 = vector.load %arg9[%swap3A_49, %swap3A_50] : memref<1x256xf32, #tpu.memory_space<vmem>>, vector<1x256xf32>
    tpu.vector_store %arg9[%swap3A_49, %swap3A_50], %add3A_48 {strides = array<i32>} : memref<1x256xf32, #tpu.memory_space<vmem>>, vector<1x256xf32>,
    return
  }
  func.func @transform_0(%arg0: i32) -> (i32, i32) {
    %add3A = arith.constant 12 : i32
    %add3A_0 = arith.addi %arg0, %add3A : i32
    %c0_i32 = arith.constant 0 : i32
    %c0_i32_1 = arith.constant 0 : i32
    return %add3A_0, %c0_i32 : i32, i32
  }
  func.func @transform_1(%arg0: i32) -> (i32, i32, i32) {
    %c0_i32 = arith.constant 0 : i32
    %c0_i32_0 = arith.constant 0 : i32
    %c0_i32_1 = arith.constant 0 : i32
    return %arg0, %c0_i32, %c0_i32_0 : i32, i32, i32
  }
  func.func @transform_2(%arg0: i32) -> (i32, i32) {
    %add3A = arith.constant 12 : i32
    %add3A_0 = arith.addi %arg0, %add3A : i32
    %c0_i32 = arith.constant 0 : i32
    %c0_i32_1 = arith.constant 0 : i32
    return %c0_i32, %add3A_0 : i32, i32
  }
  func.func @transform_3(%arg0: i32) -> (i32, i32) {
    %c0_i32 = arith.constant 0 : i32
    %c0_i32_0 = arith.constant 0 : i32
    %c0_i32_1 = arith.constant 0 : i32
    return %c0_i32, %c0_i32_0 : i32, i32
  }
  func.func @transform_4(%arg0: i32) -> (i32, i32) {
    %c0_i32 = arith.constant 0 : i32
    %c0_i32_0 = arith.constant 0 : i32
    %c0_i32_1 = arith.constant 0 : i32
    return %c0_i32, %c0_i32_0 : i32, i32
  }
  func.func @transform_5(%arg0: i32) -> (i32, i32) {
    %c0_i32 = arith.constant 0 : i32
    %c0_i32_0 = arith.constant 0 : i32
    %c0_i32_1 = arith.constant 0 : i32
    return %c0_i32, %c0_i32_0 : i32, i32
  }
  func.func @transform_6(%arg0: i32) -> (i32, i32) {
    %c0_i32 = arith.constant 0 : i32
    %c0_i32_0 = arith.constant 0 : i32
    %c0_i32_1 = arith.constant 0 : i32
    return %c0_i32, %c0_i32_0 : i32, i32
  }
  func.func @transform_7(%arg0: i32) -> (i32, i32) {
    %c0_i32 = arith.constant 0 : i32
    %c0_i32_0 = arith.constant 0 : i32
    %c0_i32_1 = arith.constant 0 : i32
    return %c0_i32, %c0_i32_0 : i32, i32
  }
  func.func @transform_8(%arg0: i32) -> (i32, i32) {
    %c0_i32 = arith.constant 0 : i32
    %c0_i32_0 = arith.constant 0 : i32
    %c0_i32_1 = arith.constant 0 : i32
    return %c0_i32, %c0_i32_0 : i32, i32
  }
}

module attributes {stable_mosaic.version = 14 : i64} {
  func.func @_stats_kernel(%arg0: i32, %arg1: memref<400x128xf32, #tpu.memory_space<vmem>>, %arg2: memref<400x32x128xf32, #tpu.memory_space<vmem>>, %arg3: memref<16x12800xf32, #tpu.memory_space<vmem>>, %arg4: memref<128x256xf32, #tpu.memory_space<vmem>>, %arg5: memref<128x256xf32, #tpu.memory_space<vmem>>, %arg6: memref<16x256xf32, #tpu.memory_space<vmem>>, %arg7: memref<1x256xf32, #tpu.memory_space<vmem>>, %arg8: memref<1x256xf32, #tpu.memory_space<vmem>>, %arg9: memref<1x256xf32, #tpu.memory_space<vmem>>) attributes {dimension_semantics = [#tpu.dimension_semantics<arbitrary>], iteration_bounds = array<i64: 12>, scalar_prefetch = 0 : i64, scratch_operands = 0 : i64, tpu.core_type = #tpu.core_type<tc>, window_params = [{transform_indices = @transform_0, window_bounds = array<i64: 400, 128>}, {transform_indices = @transform_1, window_bounds = array<i64: 400, 32, 128>}, {transform_indices = @transform_2, window_bounds = array<i64: 16, 12800>}, {pipeline_mode = #tpu.pipeline_mode<synchronous>, transform_indices = @transform_3, window_bounds = array<i64: 128, 256>}, {pipeline_mode = #tpu.pipeline_mode<synchronous>, transform_indices = @transform_4, window_bounds = array<i64: 128, 256>}, {pipeline_mode = #tpu.pipeline_mode<synchronous>, transform_indices = @transform_5, window_bounds = array<i64: 16, 256>}, {pipeline_mode = #tpu.pipeline_mode<synchronous>, transform_indices = @transform_6, window_bounds = array<i64: 1, 256>}, {pipeline_mode = #tpu.pipeline_mode<synchronous>, transform_indices = @transform_7, window_bounds = array<i64: 1, 256>}, {pipeline_mode = #tpu.pipeline_mode<synchronous>, transform_indices = @transform_8, window_bounds = array<i64: 1, 256>}]} {
    %get3A = arith.constant 0 : index
    %get3A_0 = arith.constant 0 : index
    %get3A_1 = vector.load %arg1[%get3A, %get3A_0] : memref<400x128xf32, #tpu.memory_space<vmem>>, vector<400x128xf32>
    %get3A_2 = arith.constant 0 : index
    %get3A_3 = arith.constant 0 : index
    %get3A_4 = vector.load %arg4[%get3A_2, %get3A_3] : memref<128x256xf32, #tpu.memory_space<vmem>>, vector<128x256xf32>
    %dot_general3A = arith.constant dense<0.000000e+00> : vector<400x256xf32>
    %dot_general3A_5 = tpu.matmul %get3A_1, %get3A_4, %dot_general3A {dimension_numbers = #tpu.dot_dimension_numbers<[1], [0], [0], [1], [0, 0, 1, 1], [], []>, transpose_lhs_hint = false} : vector<400x128xf32>, vector<128x256xf32>, vector<400x256xf32> -> vector<400x256xf32>
    %get3A_6 = arith.constant 0 : index
    %get3A_7 = arith.constant 0 : index
    %get3A_8 = vector.load %arg7[%get3A_6, %get3A_7] : memref<1x256xf32, #tpu.memory_space<vmem>>, vector<1x256xf32>
    %add3A = vector.broadcast %get3A_8 : vector<1x256xf32> to vector<400x256xf32>
    %add3A_9 = arith.addf %dot_general3A_5, %add3A : vector<400x256xf32>
    %get3A_10 = arith.constant 0 : index
    %get3A_11 = arith.constant 0 : index
    %get3A_12 = arith.constant 0 : index
    %get3A_13 = vector.load %arg2[%get3A_10, %get3A_11, %get3A_12] : memref<400x32x128xf32, #tpu.memory_space<vmem>>, vector<400x32x128xf32>
    %reshape3A = vector.shape_cast %get3A_13 : vector<400x32x128xf32> to vector<12800x128xf32>
    %get3A_14 = arith.constant 0 : index
    %get3A_15 = arith.constant 0 : index
    %get3A_16 = vector.load %arg5[%get3A_14, %get3A_15] : memref<128x256xf32, #tpu.memory_space<vmem>>, vector<128x256xf32>
    %dot_general3A_17 = arith.constant dense<0.000000e+00> : vector<12800x256xf32>
    %dot_general3A_18 = tpu.matmul %reshape3A, %get3A_16, %dot_general3A_17 {dimension_numbers = #tpu.dot_dimension_numbers<[1], [0], [0], [1], [0, 0, 1, 1], [], []>, transpose_lhs_hint = false} : vector<12800x128xf32>, vector<128x256xf32>, vector<12800x256xf32> -> vector<12800x256xf32>
    %reshape3A_19 = vector.shape_cast %dot_general3A_18 : vector<12800x256xf32> to vector<400x32x256xf32>
    %get3A_20 = arith.constant 0 : index
    %get3A_21 = arith.constant 0 : index
    %get3A_22 = vector.load %arg3[%get3A_20, %get3A_21] : memref<16x12800xf32, #tpu.memory_space<vmem>>, vector<16x12800xf32>
    %get3A_23 = arith.constant 0 : index
    %get3A_24 = arith.constant 0 : index
    %get3A_25 = vector.load %arg6[%get3A_23, %get3A_24] : memref<16x256xf32, #tpu.memory_space<vmem>>, vector<16x256xf32>
    %dot_general3A_26 = arith.constant dense<0.000000e+00> : vector<12800x256xf32>
    %dot_general3A_27 = tpu.matmul %get3A_22, %get3A_25, %dot_general3A_26 {dimension_numbers = #tpu.dot_dimension_numbers<[0], [0], [1], [1], [0, 1, 1, 1], [], []>, transpose_lhs_hint = false} : vector<16x12800xf32>, vector<16x256xf32>, vector<12800x256xf32> -> vector<12800x256xf32>
    %reshape3A_28 = vector.shape_cast %dot_general3A_27 : vector<12800x256xf32> to vector<400x32x256xf32>
    %broadcast_in_dim3A = vector.shape_cast %add3A_9 : vector<400x256xf32> to vector<400x1x256xf32>
    %add3A_29 = vector.broadcast %broadcast_in_dim3A : vector<400x1x256xf32> to vector<400x32x256xf32>
    %add3A_30 = arith.addf %add3A_29, %reshape3A_19 : vector<400x32x256xf32>
    %add3A_31 = arith.addf %add3A_30, %reshape3A_28 : vector<400x32x256xf32>
    %reduce_sum3A = arith.constant dense<0.000000e+00> : vector<256xf32>
    %reduce_sum3A_32 = vector.multi_reduction <add>, %add3A_31, %reduce_sum3A [0, 1] : vector<400x32x256xf32> to vector<256xf32>
    %broadcast_in_dim3A_33 = vector.shape_cast %reduce_sum3A_32 : vector<256xf32> to vector<1x256xf32>
    %mul3A = arith.mulf %add3A_31, %add3A_31 : vector<400x32x256xf32>
    %reduce_sum3A_34 = arith.constant dense<0.000000e+00> : vector<256xf32>
    %reduce_sum3A_35 = vector.multi_reduction <add>, %mul3A, %reduce_sum3A_34 [0, 1] : vector<400x32x256xf32> to vector<256xf32>
    %broadcast_in_dim3A_36 = vector.shape_cast %reduce_sum3A_35 : vector<256xf32> to vector<1x256xf32>
    %eq3A = arith.constant 0 : i32
    %eq3A_37 = arith.cmpi eq, %arg0, %eq3A : i32
    %convert_element_type3A = arith.extui %eq3A_37 : i1 to i32
    %cond3A = arith.constant 0 : i32
    %cond3A_38 = arith.cmpi ne, %convert_element_type3A, %cond3A : i32
    scf.if %cond3A_38 {
      %broadcast_in_dim3A_52 = arith.constant 0.000000e+00 : f32
      %broadcast_in_dim3A_53 = vector.broadcast %broadcast_in_dim3A_52 : f32 to vector<1x256xf32>
      %swap3A_54 = arith.constant 0 : index
      %swap3A_55 = arith.constant 0 : index
      %swap3A_56 = vector.load %arg8[%swap3A_54, %swap3A_55] : memref<1x256xf32, #tpu.memory_space<vmem>>, vector<1x256xf32>
      tpu.vector_store %arg8[%swap3A_54, %swap3A_55], %broadcast_in_dim3A_53 {strides = array<i32>} : memref<1x256xf32, #tpu.memory_space<vmem>>, vector<1x256xf32>,
      %broadcast_in_dim3A_57 = arith.constant 0.000000e+00 : f32
      %broadcast_in_dim3A_58 = vector.broadcast %broadcast_in_dim3A_57 : f32 to vector<1x256xf32>
      %swap3A_59 = arith.constant 0 : index
      %swap3A_60 = arith.constant 0 : index
      %swap3A_61 = vector.load %arg9[%swap3A_59, %swap3A_60] : memref<1x256xf32, #tpu.memory_space<vmem>>, vector<1x256xf32>
      tpu.vector_store %arg9[%swap3A_59, %swap3A_60], %broadcast_in_dim3A_58 {strides = array<i32>} : memref<1x256xf32, #tpu.memory_space<vmem>>, vector<1x256xf32>,
    } else {
    }
    %get3A_39 = arith.constant 0 : index
    %get3A_40 = arith.constant 0 : index
    %get3A_41 = vector.load %arg8[%get3A_39, %get3A_40] : memref<1x256xf32, #tpu.memory_space<vmem>>, vector<1x256xf32>
    %add3A_42 = arith.addf %get3A_41, %broadcast_in_dim3A_33 : vector<1x256xf32>
    %swap3A = arith.constant 0 : index
    %swap3A_43 = arith.constant 0 : index
    %swap3A_44 = vector.load %arg8[%swap3A, %swap3A_43] : memref<1x256xf32, #tpu.memory_space<vmem>>, vector<1x256xf32>
    tpu.vector_store %arg8[%swap3A, %swap3A_43], %add3A_42 {strides = array<i32>} : memref<1x256xf32, #tpu.memory_space<vmem>>, vector<1x256xf32>,
    %get3A_45 = arith.constant 0 : index
    %get3A_46 = arith.constant 0 : index
    %get3A_47 = vector.load %arg9[%get3A_45, %get3A_46] : memref<1x256xf32, #tpu.memory_space<vmem>>, vector<1x256xf32>
    %add3A_48 = arith.addf %get3A_47, %broadcast_in_dim3A_36 : vector<1x256xf32>
    %swap3A_49 = arith.constant 0 : index
    %swap3A_50 = arith.constant 0 : index
    %swap3A_51 = vector.load %arg9[%swap3A_49, %swap3A_50] : memref<1x256xf32, #tpu.memory_space<vmem>>, vector<1x256xf32>
    tpu.vector_store %arg9[%swap3A_49, %swap3A_50], %add3A_48 {strides = array<i32>} : memref<1x256xf32, #tpu.memory_space<vmem>>, vector<1x256xf32>,
    return
  }
  func.func @transform_0(%arg0: i32) -> (i32, i32) {
    %add3A = arith.constant 0 : i32
    %add3A_0 = arith.addi %arg0, %add3A : i32
    %c0_i32 = arith.constant 0 : i32
    %c0_i32_1 = arith.constant 0 : i32
    return %add3A_0, %c0_i32 : i32, i32
  }
  func.func @transform_1(%arg0: i32) -> (i32, i32, i32) {
    %c0_i32 = arith.constant 0 : i32
    %c0_i32_0 = arith.constant 0 : i32
    %c0_i32_1 = arith.constant 0 : i32
    return %arg0, %c0_i32, %c0_i32_0 : i32, i32, i32
  }
  func.func @transform_2(%arg0: i32) -> (i32, i32) {
    %add3A = arith.constant 0 : i32
    %add3A_0 = arith.addi %arg0, %add3A : i32
    %c0_i32 = arith.constant 0 : i32
    %c0_i32_1 = arith.constant 0 : i32
    return %c0_i32, %add3A_0 : i32, i32
  }
  func.func @transform_3(%arg0: i32) -> (i32, i32) {
    %c0_i32 = arith.constant 0 : i32
    %c0_i32_0 = arith.constant 0 : i32
    %c0_i32_1 = arith.constant 0 : i32
    return %c0_i32, %c0_i32_0 : i32, i32
  }
  func.func @transform_4(%arg0: i32) -> (i32, i32) {
    %c0_i32 = arith.constant 0 : i32
    %c0_i32_0 = arith.constant 0 : i32
    %c0_i32_1 = arith.constant 0 : i32
    return %c0_i32, %c0_i32_0 : i32, i32
  }
  func.func @transform_5(%arg0: i32) -> (i32, i32) {
    %c0_i32 = arith.constant 0 : i32
    %c0_i32_0 = arith.constant 0 : i32
    %c0_i32_1 = arith.constant 0 : i32
    return %c0_i32, %c0_i32_0 : i32, i32
  }
  func.func @transform_6(%arg0: i32) -> (i32, i32) {
    %c0_i32 = arith.constant 0 : i32
    %c0_i32_0 = arith.constant 0 : i32
    %c0_i32_1 = arith.constant 0 : i32
    return %c0_i32, %c0_i32_0 : i32, i32
  }
  func.func @transform_7(%arg0: i32) -> (i32, i32) {
    %c0_i32 = arith.constant 0 : i32
    %c0_i32_0 = arith.constant 0 : i32
    %c0_i32_1 = arith.constant 0 : i32
    return %c0_i32, %c0_i32_0 : i32, i32
  }
  func.func @transform_8(%arg0: i32) -> (i32, i32) {
    %c0_i32 = arith.constant 0 : i32
    %c0_i32_0 = arith.constant 0 : i32
    %c0_i32_1 = arith.constant 0 : i32
    return %c0_i32, %c0_i32_0 : i32, i32
  }
}

module attributes {stable_mosaic.version = 14 : i64} {
  func.func @_gate_kernel(%arg0: i32, %arg1: memref<400x128xf32, #tpu.memory_space<vmem>>, %arg2: memref<400x32x128xf32, #tpu.memory_space<vmem>>, %arg3: memref<16x12800xf32, #tpu.memory_space<vmem>>, %arg4: memref<400x32xf32, #tpu.memory_space<vmem>>, %arg5: memref<128x256xf32, #tpu.memory_space<vmem>>, %arg6: memref<128x256xf32, #tpu.memory_space<vmem>>, %arg7: memref<16x256xf32, #tpu.memory_space<vmem>>, %arg8: memref<1x256xf32, #tpu.memory_space<vmem>>, %arg9: memref<400x128xf32, #tpu.memory_space<vmem>>, %arg10: memref<1x128xf32, #tpu.memory_space<vmem>>, %arg11: memref<1x128xf32, #tpu.memory_space<vmem>>) attributes {dimension_semantics = [#tpu.dimension_semantics<arbitrary>], iteration_bounds = array<i64: 12>, scalar_prefetch = 0 : i64, scratch_operands = 0 : i64, tpu.core_type = #tpu.core_type<tc>, window_params = [{transform_indices = @transform_0, window_bounds = array<i64: 400, 128>}, {transform_indices = @transform_1, window_bounds = array<i64: 400, 32, 128>}, {transform_indices = @transform_2, window_bounds = array<i64: 16, 12800>}, {transform_indices = @transform_3, window_bounds = array<i64: 400, 32>}, {pipeline_mode = #tpu.pipeline_mode<synchronous>, transform_indices = @transform_4, window_bounds = array<i64: 128, 256>}, {pipeline_mode = #tpu.pipeline_mode<synchronous>, transform_indices = @transform_5, window_bounds = array<i64: 128, 256>}, {pipeline_mode = #tpu.pipeline_mode<synchronous>, transform_indices = @transform_6, window_bounds = array<i64: 16, 256>}, {pipeline_mode = #tpu.pipeline_mode<synchronous>, transform_indices = @transform_7, window_bounds = array<i64: 1, 256>}, {transform_indices = @transform_8, window_bounds = array<i64: 400, 128>}, {pipeline_mode = #tpu.pipeline_mode<synchronous>, transform_indices = @transform_9, window_bounds = array<i64: 1, 128>}, {pipeline_mode = #tpu.pipeline_mode<synchronous>, transform_indices = @transform_10, window_bounds = array<i64: 1, 128>}]} {
    %get3A = arith.constant 0 : index
    %get3A_0 = arith.constant 0 : index
    %get3A_1 = vector.load %arg1[%get3A, %get3A_0] : memref<400x128xf32, #tpu.memory_space<vmem>>, vector<400x128xf32>
    %get3A_2 = arith.constant 0 : index
    %get3A_3 = arith.constant 0 : index
    %get3A_4 = vector.load %arg5[%get3A_2, %get3A_3] : memref<128x256xf32, #tpu.memory_space<vmem>>, vector<128x256xf32>
    %dot_general3A = arith.constant dense<0.000000e+00> : vector<400x256xf32>
    %dot_general3A_5 = tpu.matmul %get3A_1, %get3A_4, %dot_general3A {dimension_numbers = #tpu.dot_dimension_numbers<[1], [0], [0], [1], [0, 0, 1, 1], [], []>, transpose_lhs_hint = false} : vector<400x128xf32>, vector<128x256xf32>, vector<400x256xf32> -> vector<400x256xf32>
    %get3A_6 = arith.constant 0 : index
    %get3A_7 = arith.constant 0 : index
    %get3A_8 = vector.load %arg8[%get3A_6, %get3A_7] : memref<1x256xf32, #tpu.memory_space<vmem>>, vector<1x256xf32>
    %add3A = vector.broadcast %get3A_8 : vector<1x256xf32> to vector<400x256xf32>
    %add3A_9 = arith.addf %dot_general3A_5, %add3A : vector<400x256xf32>
    %get3A_10 = arith.constant 0 : index
    %get3A_11 = arith.constant 0 : index
    %get3A_12 = arith.constant 0 : index
    %get3A_13 = vector.load %arg2[%get3A_10, %get3A_11, %get3A_12] : memref<400x32x128xf32, #tpu.memory_space<vmem>>, vector<400x32x128xf32>
    %reshape3A = vector.shape_cast %get3A_13 : vector<400x32x128xf32> to vector<12800x128xf32>
    %get3A_14 = arith.constant 0 : index
    %get3A_15 = arith.constant 0 : index
    %get3A_16 = vector.load %arg6[%get3A_14, %get3A_15] : memref<128x256xf32, #tpu.memory_space<vmem>>, vector<128x256xf32>
    %dot_general3A_17 = arith.constant dense<0.000000e+00> : vector<12800x256xf32>
    %dot_general3A_18 = tpu.matmul %reshape3A, %get3A_16, %dot_general3A_17 {dimension_numbers = #tpu.dot_dimension_numbers<[1], [0], [0], [1], [0, 0, 1, 1], [], []>, transpose_lhs_hint = false} : vector<12800x128xf32>, vector<128x256xf32>, vector<12800x256xf32> -> vector<12800x256xf32>
    %reshape3A_19 = vector.shape_cast %dot_general3A_18 : vector<12800x256xf32> to vector<400x32x256xf32>
    %get3A_20 = arith.constant 0 : index
    %get3A_21 = arith.constant 0 : index
    %get3A_22 = vector.load %arg3[%get3A_20, %get3A_21] : memref<16x12800xf32, #tpu.memory_space<vmem>>, vector<16x12800xf32>
    %get3A_23 = arith.constant 0 : index
    %get3A_24 = arith.constant 0 : index
    %get3A_25 = vector.load %arg7[%get3A_23, %get3A_24] : memref<16x256xf32, #tpu.memory_space<vmem>>, vector<16x256xf32>
    %dot_general3A_26 = arith.constant dense<0.000000e+00> : vector<12800x256xf32>
    %dot_general3A_27 = tpu.matmul %get3A_22, %get3A_25, %dot_general3A_26 {dimension_numbers = #tpu.dot_dimension_numbers<[0], [0], [1], [1], [0, 1, 1, 1], [], []>, transpose_lhs_hint = false} : vector<16x12800xf32>, vector<16x256xf32>, vector<12800x256xf32> -> vector<12800x256xf32>
    %reshape3A_28 = vector.shape_cast %dot_general3A_27 : vector<12800x256xf32> to vector<400x32x256xf32>
    %broadcast_in_dim3A = vector.shape_cast %add3A_9 : vector<400x256xf32> to vector<400x1x256xf32>
    %add3A_29 = vector.broadcast %broadcast_in_dim3A : vector<400x1x256xf32> to vector<400x32x256xf32>
    %add3A_30 = arith.addf %add3A_29, %reshape3A_19 : vector<400x32x256xf32>
    %add3A_31 = arith.addf %add3A_30, %reshape3A_28 : vector<400x32x256xf32>
    %slice3A = vector.extract_strided_slice %add3A_31 {offsets = [0, 0, 0], sizes = [400, 32, 128], strides = [1, 1, 1]} : vector<400x32x256xf32> to vector<400x32x128xf32>
    %neg3A = arith.constant 0.000000e+00 : f32
    %neg3A_32 = vector.broadcast %neg3A : f32 to vector<400x32x128xf32>
    %neg3A_33 = arith.subf %neg3A_32, %slice3A : vector<400x32x128xf32>
    %exp3A = math.exp %neg3A_33 : vector<400x32x128xf32>
    %add3A_34 = arith.constant 1.000000e+00 : f32
    %add3A_35 = vector.broadcast %add3A_34 : f32 to vector<400x32x128xf32>
    %add3A_36 = arith.addf %add3A_35, %exp3A : vector<400x32x128xf32>
    %div3A = arith.constant 1.000000e+00 : f32
    %div3A_37 = vector.broadcast %div3A : f32 to vector<400x32x128xf32>
    %div3A_38 = arith.divf %div3A_37, %add3A_36 : vector<400x32x128xf32>
    %slice3A_39 = vector.extract_strided_slice %add3A_31 {offsets = [0, 0, 128], sizes = [400, 32, 128], strides = [1, 1, 1]} : vector<400x32x256xf32> to vector<400x32x128xf32>
    %exp3A_40 = math.exp %slice3A_39 : vector<400x32x128xf32>
    %log1p3A = math.log1p %exp3A_40 : vector<400x32x128xf32>
    %get3A_41 = arith.constant 0 : index
    %get3A_42 = arith.constant 0 : index
    %get3A_43 = vector.load %arg4[%get3A_41, %get3A_42] : memref<400x32xf32, #tpu.memory_space<vmem>>, vector<400x32xf32>
    %mul3A = arith.mulf %div3A_38, %log1p3A : vector<400x32x128xf32>
    %mul3A_44 = arith.mulf %get3A_43, %get3A_43 : vector<400x32xf32>
    %broadcast_in_dim3A_45 = vector.shape_cast %mul3A_44 : vector<400x32xf32> to vector<400x32x1xf32>
    %mul3A_46 = vector.broadcast %broadcast_in_dim3A_45 : vector<400x32x1xf32> to vector<400x32x128xf32>
    %mul3A_47 = arith.mulf %mul3A, %mul3A_46 : vector<400x32x128xf32>
    %reduce_sum3A = arith.constant dense<0.000000e+00> : vector<400x128xf32>
    %reduce_sum3A_48 = vector.multi_reduction <add>, %mul3A_47, %reduce_sum3A [1] : vector<400x32x128xf32> to vector<400x128xf32>
    %swap3A = arith.constant 0 : index
    %swap3A_49 = arith.constant 0 : index
    %swap3A_50 = vector.load %arg9[%swap3A, %swap3A_49] : memref<400x128xf32, #tpu.memory_space<vmem>>, vector<400x128xf32>
    tpu.vector_store %arg9[%swap3A, %swap3A_49], %reduce_sum3A_48 {strides = array<i32>} : memref<400x128xf32, #tpu.memory_space<vmem>>, vector<400x128xf32>,
    %eq3A = arith.constant 0 : i32
    %eq3A_51 = arith.cmpi eq, %arg0, %eq3A : i32
    %convert_element_type3A = arith.extui %eq3A_51 : i1 to i32
    %cond3A = arith.constant 0 : i32
    %cond3A_52 = arith.cmpi ne, %convert_element_type3A, %cond3A : i32
    scf.if %cond3A_52 {
      %broadcast_in_dim3A_74 = arith.constant 0.000000e+00 : f32
      %broadcast_in_dim3A_75 = vector.broadcast %broadcast_in_dim3A_74 : f32 to vector<1x128xf32>
      %swap3A_76 = arith.constant 0 : index
      %swap3A_77 = arith.constant 0 : index
      %swap3A_78 = vector.load %arg10[%swap3A_76, %swap3A_77] : memref<1x128xf32, #tpu.memory_space<vmem>>, vector<1x128xf32>
      tpu.vector_store %arg10[%swap3A_76, %swap3A_77], %broadcast_in_dim3A_75 {strides = array<i32>} : memref<1x128xf32, #tpu.memory_space<vmem>>, vector<1x128xf32>,
      %broadcast_in_dim3A_79 = arith.constant 0.000000e+00 : f32
      %broadcast_in_dim3A_80 = vector.broadcast %broadcast_in_dim3A_79 : f32 to vector<1x128xf32>
      %swap3A_81 = arith.constant 0 : index
      %swap3A_82 = arith.constant 0 : index
      %swap3A_83 = vector.load %arg11[%swap3A_81, %swap3A_82] : memref<1x128xf32, #tpu.memory_space<vmem>>, vector<1x128xf32>
      tpu.vector_store %arg11[%swap3A_81, %swap3A_82], %broadcast_in_dim3A_80 {strides = array<i32>} : memref<1x128xf32, #tpu.memory_space<vmem>>, vector<1x128xf32>,
    } else {
    }
    %get3A_53 = arith.constant 0 : index
    %get3A_54 = arith.constant 0 : index
    %get3A_55 = vector.load %arg10[%get3A_53, %get3A_54] : memref<1x128xf32, #tpu.memory_space<vmem>>, vector<1x128xf32>
    %reduce_sum3A_56 = arith.constant dense<0.000000e+00> : vector<128xf32>
    %reduce_sum3A_57 = vector.multi_reduction <add>, %reduce_sum3A_48, %reduce_sum3A_56 [0] : vector<400x128xf32> to vector<128xf32>
    %broadcast_in_dim3A_58 = vector.shape_cast %reduce_sum3A_57 : vector<128xf32> to vector<1x128xf32>
    %add3A_59 = arith.addf %get3A_55, %broadcast_in_dim3A_58 : vector<1x128xf32>
    %swap3A_60 = arith.constant 0 : index
    %swap3A_61 = arith.constant 0 : index
    %swap3A_62 = vector.load %arg10[%swap3A_60, %swap3A_61] : memref<1x128xf32, #tpu.memory_space<vmem>>, vector<1x128xf32>
    tpu.vector_store %arg10[%swap3A_60, %swap3A_61], %add3A_59 {strides = array<i32>} : memref<1x128xf32, #tpu.memory_space<vmem>>, vector<1x128xf32>,
    %get3A_63 = arith.constant 0 : index
    %get3A_64 = arith.constant 0 : index
    %get3A_65 = vector.load %arg11[%get3A_63, %get3A_64] : memref<1x128xf32, #tpu.memory_space<vmem>>, vector<1x128xf32>
    %mul3A_66 = arith.mulf %reduce_sum3A_48, %reduce_sum3A_48 : vector<400x128xf32>
    %reduce_sum3A_67 = arith.constant dense<0.000000e+00> : vector<128xf32>
    %reduce_sum3A_68 = vector.multi_reduction <add>, %mul3A_66, %reduce_sum3A_67 [0] : vector<400x128xf32> to vector<128xf32>
    %broadcast_in_dim3A_69 = vector.shape_cast %reduce_sum3A_68 : vector<128xf32> to vector<1x128xf32>
    %add3A_70 = arith.addf %get3A_65, %broadcast_in_dim3A_69 : vector<1x128xf32>
    %swap3A_71 = arith.constant 0 : index
    %swap3A_72 = arith.constant 0 : index
    %swap3A_73 = vector.load %arg11[%swap3A_71, %swap3A_72] : memref<1x128xf32, #tpu.memory_space<vmem>>, vector<1x128xf32>
    tpu.vector_store %arg11[%swap3A_71, %swap3A_72], %add3A_70 {strides = array<i32>} : memref<1x128xf32, #tpu.memory_space<vmem>>, vector<1x128xf32>,
    return
  }
  func.func @transform_0(%arg0: i32) -> (i32, i32) {
    %add3A = arith.constant 0 : i32
    %add3A_0 = arith.addi %arg0, %add3A : i32
    %c0_i32 = arith.constant 0 : i32
    %c0_i32_1 = arith.constant 0 : i32
    return %add3A_0, %c0_i32 : i32, i32
  }
  func.func @transform_1(%arg0: i32) -> (i32, i32, i32) {
    %c0_i32 = arith.constant 0 : i32
    %c0_i32_0 = arith.constant 0 : i32
    %c0_i32_1 = arith.constant 0 : i32
    return %arg0, %c0_i32, %c0_i32_0 : i32, i32, i32
  }
  func.func @transform_2(%arg0: i32) -> (i32, i32) {
    %add3A = arith.constant 0 : i32
    %add3A_0 = arith.addi %arg0, %add3A : i32
    %c0_i32 = arith.constant 0 : i32
    %c0_i32_1 = arith.constant 0 : i32
    return %c0_i32, %add3A_0 : i32, i32
  }
  func.func @transform_3(%arg0: i32) -> (i32, i32) {
    %add3A = arith.constant 0 : i32
    %add3A_0 = arith.addi %arg0, %add3A : i32
    %c0_i32 = arith.constant 0 : i32
    %c0_i32_1 = arith.constant 0 : i32
    return %add3A_0, %c0_i32 : i32, i32
  }
  func.func @transform_4(%arg0: i32) -> (i32, i32) {
    %c0_i32 = arith.constant 0 : i32
    %c0_i32_0 = arith.constant 0 : i32
    %c0_i32_1 = arith.constant 0 : i32
    return %c0_i32, %c0_i32_0 : i32, i32
  }
  func.func @transform_5(%arg0: i32) -> (i32, i32) {
    %c0_i32 = arith.constant 0 : i32
    %c0_i32_0 = arith.constant 0 : i32
    %c0_i32_1 = arith.constant 0 : i32
    return %c0_i32, %c0_i32_0 : i32, i32
  }
  func.func @transform_6(%arg0: i32) -> (i32, i32) {
    %c0_i32 = arith.constant 0 : i32
    %c0_i32_0 = arith.constant 0 : i32
    %c0_i32_1 = arith.constant 0 : i32
    return %c0_i32, %c0_i32_0 : i32, i32
  }
  func.func @transform_7(%arg0: i32) -> (i32, i32) {
    %c0_i32 = arith.constant 0 : i32
    %c0_i32_0 = arith.constant 0 : i32
    %c0_i32_1 = arith.constant 0 : i32
    return %c0_i32, %c0_i32_0 : i32, i32
  }
  func.func @transform_8(%arg0: i32) -> (i32, i32) {
    %c0_i32 = arith.constant 0 : i32
    %c0_i32_0 = arith.constant 0 : i32
    return %arg0, %c0_i32 : i32, i32
  }
  func.func @transform_9(%arg0: i32) -> (i32, i32) {
    %c0_i32 = arith.constant 0 : i32
    %c0_i32_0 = arith.constant 0 : i32
    %c0_i32_1 = arith.constant 0 : i32
    return %c0_i32, %c0_i32_0 : i32, i32
  }
  func.func @transform_10(%arg0: i32) -> (i32, i32) {
    %c0_i32 = arith.constant 0 : i32
    %c0_i32_0 = arith.constant 0 : i32
    %c0_i32_1 = arith.constant 0 : i32
    return %c0_i32, %c0_i32_0 : i32, i32
  }
}

module attributes {stable_mosaic.version = 14 : i64} {
  func.func @_gate_kernel(%arg0: i32, %arg1: memref<400x128xf32, #tpu.memory_space<vmem>>, %arg2: memref<400x32x128xf32, #tpu.memory_space<vmem>>, %arg3: memref<16x12800xf32, #tpu.memory_space<vmem>>, %arg4: memref<400x32xf32, #tpu.memory_space<vmem>>, %arg5: memref<128x256xf32, #tpu.memory_space<vmem>>, %arg6: memref<128x256xf32, #tpu.memory_space<vmem>>, %arg7: memref<16x256xf32, #tpu.memory_space<vmem>>, %arg8: memref<1x256xf32, #tpu.memory_space<vmem>>, %arg9: memref<400x128xf32, #tpu.memory_space<vmem>>, %arg10: memref<1x128xf32, #tpu.memory_space<vmem>>, %arg11: memref<1x128xf32, #tpu.memory_space<vmem>>) attributes {dimension_semantics = [#tpu.dimension_semantics<arbitrary>], iteration_bounds = array<i64: 13>, scalar_prefetch = 0 : i64, scratch_operands = 0 : i64, tpu.core_type = #tpu.core_type<tc>, window_params = [{transform_indices = @transform_0, window_bounds = array<i64: 400, 128>}, {transform_indices = @transform_1, window_bounds = array<i64: 400, 32, 128>}, {transform_indices = @transform_2, window_bounds = array<i64: 16, 12800>}, {transform_indices = @transform_3, window_bounds = array<i64: 400, 32>}, {pipeline_mode = #tpu.pipeline_mode<synchronous>, transform_indices = @transform_4, window_bounds = array<i64: 128, 256>}, {pipeline_mode = #tpu.pipeline_mode<synchronous>, transform_indices = @transform_5, window_bounds = array<i64: 128, 256>}, {pipeline_mode = #tpu.pipeline_mode<synchronous>, transform_indices = @transform_6, window_bounds = array<i64: 16, 256>}, {pipeline_mode = #tpu.pipeline_mode<synchronous>, transform_indices = @transform_7, window_bounds = array<i64: 1, 256>}, {transform_indices = @transform_8, window_bounds = array<i64: 400, 128>}, {pipeline_mode = #tpu.pipeline_mode<synchronous>, transform_indices = @transform_9, window_bounds = array<i64: 1, 128>}, {pipeline_mode = #tpu.pipeline_mode<synchronous>, transform_indices = @transform_10, window_bounds = array<i64: 1, 128>}]} {
    %get3A = arith.constant 0 : index
    %get3A_0 = arith.constant 0 : index
    %get3A_1 = vector.load %arg1[%get3A, %get3A_0] : memref<400x128xf32, #tpu.memory_space<vmem>>, vector<400x128xf32>
    %get3A_2 = arith.constant 0 : index
    %get3A_3 = arith.constant 0 : index
    %get3A_4 = vector.load %arg5[%get3A_2, %get3A_3] : memref<128x256xf32, #tpu.memory_space<vmem>>, vector<128x256xf32>
    %dot_general3A = arith.constant dense<0.000000e+00> : vector<400x256xf32>
    %dot_general3A_5 = tpu.matmul %get3A_1, %get3A_4, %dot_general3A {dimension_numbers = #tpu.dot_dimension_numbers<[1], [0], [0], [1], [0, 0, 1, 1], [], []>, transpose_lhs_hint = false} : vector<400x128xf32>, vector<128x256xf32>, vector<400x256xf32> -> vector<400x256xf32>
    %get3A_6 = arith.constant 0 : index
    %get3A_7 = arith.constant 0 : index
    %get3A_8 = vector.load %arg8[%get3A_6, %get3A_7] : memref<1x256xf32, #tpu.memory_space<vmem>>, vector<1x256xf32>
    %add3A = vector.broadcast %get3A_8 : vector<1x256xf32> to vector<400x256xf32>
    %add3A_9 = arith.addf %dot_general3A_5, %add3A : vector<400x256xf32>
    %get3A_10 = arith.constant 0 : index
    %get3A_11 = arith.constant 0 : index
    %get3A_12 = arith.constant 0 : index
    %get3A_13 = vector.load %arg2[%get3A_10, %get3A_11, %get3A_12] : memref<400x32x128xf32, #tpu.memory_space<vmem>>, vector<400x32x128xf32>
    %reshape3A = vector.shape_cast %get3A_13 : vector<400x32x128xf32> to vector<12800x128xf32>
    %get3A_14 = arith.constant 0 : index
    %get3A_15 = arith.constant 0 : index
    %get3A_16 = vector.load %arg6[%get3A_14, %get3A_15] : memref<128x256xf32, #tpu.memory_space<vmem>>, vector<128x256xf32>
    %dot_general3A_17 = arith.constant dense<0.000000e+00> : vector<12800x256xf32>
    %dot_general3A_18 = tpu.matmul %reshape3A, %get3A_16, %dot_general3A_17 {dimension_numbers = #tpu.dot_dimension_numbers<[1], [0], [0], [1], [0, 0, 1, 1], [], []>, transpose_lhs_hint = false} : vector<12800x128xf32>, vector<128x256xf32>, vector<12800x256xf32> -> vector<12800x256xf32>
    %reshape3A_19 = vector.shape_cast %dot_general3A_18 : vector<12800x256xf32> to vector<400x32x256xf32>
    %get3A_20 = arith.constant 0 : index
    %get3A_21 = arith.constant 0 : index
    %get3A_22 = vector.load %arg3[%get3A_20, %get3A_21] : memref<16x12800xf32, #tpu.memory_space<vmem>>, vector<16x12800xf32>
    %get3A_23 = arith.constant 0 : index
    %get3A_24 = arith.constant 0 : index
    %get3A_25 = vector.load %arg7[%get3A_23, %get3A_24] : memref<16x256xf32, #tpu.memory_space<vmem>>, vector<16x256xf32>
    %dot_general3A_26 = arith.constant dense<0.000000e+00> : vector<12800x256xf32>
    %dot_general3A_27 = tpu.matmul %get3A_22, %get3A_25, %dot_general3A_26 {dimension_numbers = #tpu.dot_dimension_numbers<[0], [0], [1], [1], [0, 1, 1, 1], [], []>, transpose_lhs_hint = false} : vector<16x12800xf32>, vector<16x256xf32>, vector<12800x256xf32> -> vector<12800x256xf32>
    %reshape3A_28 = vector.shape_cast %dot_general3A_27 : vector<12800x256xf32> to vector<400x32x256xf32>
    %broadcast_in_dim3A = vector.shape_cast %add3A_9 : vector<400x256xf32> to vector<400x1x256xf32>
    %add3A_29 = vector.broadcast %broadcast_in_dim3A : vector<400x1x256xf32> to vector<400x32x256xf32>
    %add3A_30 = arith.addf %add3A_29, %reshape3A_19 : vector<400x32x256xf32>
    %add3A_31 = arith.addf %add3A_30, %reshape3A_28 : vector<400x32x256xf32>
    %slice3A = vector.extract_strided_slice %add3A_31 {offsets = [0, 0, 0], sizes = [400, 32, 128], strides = [1, 1, 1]} : vector<400x32x256xf32> to vector<400x32x128xf32>
    %neg3A = arith.constant 0.000000e+00 : f32
    %neg3A_32 = vector.broadcast %neg3A : f32 to vector<400x32x128xf32>
    %neg3A_33 = arith.subf %neg3A_32, %slice3A : vector<400x32x128xf32>
    %exp3A = math.exp %neg3A_33 : vector<400x32x128xf32>
    %add3A_34 = arith.constant 1.000000e+00 : f32
    %add3A_35 = vector.broadcast %add3A_34 : f32 to vector<400x32x128xf32>
    %add3A_36 = arith.addf %add3A_35, %exp3A : vector<400x32x128xf32>
    %div3A = arith.constant 1.000000e+00 : f32
    %div3A_37 = vector.broadcast %div3A : f32 to vector<400x32x128xf32>
    %div3A_38 = arith.divf %div3A_37, %add3A_36 : vector<400x32x128xf32>
    %slice3A_39 = vector.extract_strided_slice %add3A_31 {offsets = [0, 0, 128], sizes = [400, 32, 128], strides = [1, 1, 1]} : vector<400x32x256xf32> to vector<400x32x128xf32>
    %exp3A_40 = math.exp %slice3A_39 : vector<400x32x128xf32>
    %log1p3A = math.log1p %exp3A_40 : vector<400x32x128xf32>
    %get3A_41 = arith.constant 0 : index
    %get3A_42 = arith.constant 0 : index
    %get3A_43 = vector.load %arg4[%get3A_41, %get3A_42] : memref<400x32xf32, #tpu.memory_space<vmem>>, vector<400x32xf32>
    %mul3A = arith.mulf %div3A_38, %log1p3A : vector<400x32x128xf32>
    %mul3A_44 = arith.mulf %get3A_43, %get3A_43 : vector<400x32xf32>
    %broadcast_in_dim3A_45 = vector.shape_cast %mul3A_44 : vector<400x32xf32> to vector<400x32x1xf32>
    %mul3A_46 = vector.broadcast %broadcast_in_dim3A_45 : vector<400x32x1xf32> to vector<400x32x128xf32>
    %mul3A_47 = arith.mulf %mul3A, %mul3A_46 : vector<400x32x128xf32>
    %reduce_sum3A = arith.constant dense<0.000000e+00> : vector<400x128xf32>
    %reduce_sum3A_48 = vector.multi_reduction <add>, %mul3A_47, %reduce_sum3A [1] : vector<400x32x128xf32> to vector<400x128xf32>
    %swap3A = arith.constant 0 : index
    %swap3A_49 = arith.constant 0 : index
    %swap3A_50 = vector.load %arg9[%swap3A, %swap3A_49] : memref<400x128xf32, #tpu.memory_space<vmem>>, vector<400x128xf32>
    tpu.vector_store %arg9[%swap3A, %swap3A_49], %reduce_sum3A_48 {strides = array<i32>} : memref<400x128xf32, #tpu.memory_space<vmem>>, vector<400x128xf32>,
    %eq3A = arith.constant 0 : i32
    %eq3A_51 = arith.cmpi eq, %arg0, %eq3A : i32
    %convert_element_type3A = arith.extui %eq3A_51 : i1 to i32
    %cond3A = arith.constant 0 : i32
    %cond3A_52 = arith.cmpi ne, %convert_element_type3A, %cond3A : i32
    scf.if %cond3A_52 {
      %broadcast_in_dim3A_74 = arith.constant 0.000000e+00 : f32
      %broadcast_in_dim3A_75 = vector.broadcast %broadcast_in_dim3A_74 : f32 to vector<1x128xf32>
      %swap3A_76 = arith.constant 0 : index
      %swap3A_77 = arith.constant 0 : index
      %swap3A_78 = vector.load %arg10[%swap3A_76, %swap3A_77] : memref<1x128xf32, #tpu.memory_space<vmem>>, vector<1x128xf32>
      tpu.vector_store %arg10[%swap3A_76, %swap3A_77], %broadcast_in_dim3A_75 {strides = array<i32>} : memref<1x128xf32, #tpu.memory_space<vmem>>, vector<1x128xf32>,
      %broadcast_in_dim3A_79 = arith.constant 0.000000e+00 : f32
      %broadcast_in_dim3A_80 = vector.broadcast %broadcast_in_dim3A_79 : f32 to vector<1x128xf32>
      %swap3A_81 = arith.constant 0 : index
      %swap3A_82 = arith.constant 0 : index
      %swap3A_83 = vector.load %arg11[%swap3A_81, %swap3A_82] : memref<1x128xf32, #tpu.memory_space<vmem>>, vector<1x128xf32>
      tpu.vector_store %arg11[%swap3A_81, %swap3A_82], %broadcast_in_dim3A_80 {strides = array<i32>} : memref<1x128xf32, #tpu.memory_space<vmem>>, vector<1x128xf32>,
    } else {
    }
    %get3A_53 = arith.constant 0 : index
    %get3A_54 = arith.constant 0 : index
    %get3A_55 = vector.load %arg10[%get3A_53, %get3A_54] : memref<1x128xf32, #tpu.memory_space<vmem>>, vector<1x128xf32>
    %reduce_sum3A_56 = arith.constant dense<0.000000e+00> : vector<128xf32>
    %reduce_sum3A_57 = vector.multi_reduction <add>, %reduce_sum3A_48, %reduce_sum3A_56 [0] : vector<400x128xf32> to vector<128xf32>
    %broadcast_in_dim3A_58 = vector.shape_cast %reduce_sum3A_57 : vector<128xf32> to vector<1x128xf32>
    %add3A_59 = arith.addf %get3A_55, %broadcast_in_dim3A_58 : vector<1x128xf32>
    %swap3A_60 = arith.constant 0 : index
    %swap3A_61 = arith.constant 0 : index
    %swap3A_62 = vector.load %arg10[%swap3A_60, %swap3A_61] : memref<1x128xf32, #tpu.memory_space<vmem>>, vector<1x128xf32>
    tpu.vector_store %arg10[%swap3A_60, %swap3A_61], %add3A_59 {strides = array<i32>} : memref<1x128xf32, #tpu.memory_space<vmem>>, vector<1x128xf32>,
    %get3A_63 = arith.constant 0 : index
    %get3A_64 = arith.constant 0 : index
    %get3A_65 = vector.load %arg11[%get3A_63, %get3A_64] : memref<1x128xf32, #tpu.memory_space<vmem>>, vector<1x128xf32>
    %mul3A_66 = arith.mulf %reduce_sum3A_48, %reduce_sum3A_48 : vector<400x128xf32>
    %reduce_sum3A_67 = arith.constant dense<0.000000e+00> : vector<128xf32>
    %reduce_sum3A_68 = vector.multi_reduction <add>, %mul3A_66, %reduce_sum3A_67 [0] : vector<400x128xf32> to vector<128xf32>
    %broadcast_in_dim3A_69 = vector.shape_cast %reduce_sum3A_68 : vector<128xf32> to vector<1x128xf32>
    %add3A_70 = arith.addf %get3A_65, %broadcast_in_dim3A_69 : vector<1x128xf32>
    %swap3A_71 = arith.constant 0 : index
    %swap3A_72 = arith.constant 0 : index
    %swap3A_73 = vector.load %arg11[%swap3A_71, %swap3A_72] : memref<1x128xf32, #tpu.memory_space<vmem>>, vector<1x128xf32>
    tpu.vector_store %arg11[%swap3A_71, %swap3A_72], %add3A_70 {strides = array<i32>} : memref<1x128xf32, #tpu.memory_space<vmem>>, vector<1x128xf32>,
    return
  }
  func.func @transform_0(%arg0: i32) -> (i32, i32) {
    %add3A = arith.constant 12 : i32
    %add3A_0 = arith.addi %arg0, %add3A : i32
    %c0_i32 = arith.constant 0 : i32
    %c0_i32_1 = arith.constant 0 : i32
    return %add3A_0, %c0_i32 : i32, i32
  }
  func.func @transform_1(%arg0: i32) -> (i32, i32, i32) {
    %c0_i32 = arith.constant 0 : i32
    %c0_i32_0 = arith.constant 0 : i32
    %c0_i32_1 = arith.constant 0 : i32
    return %arg0, %c0_i32, %c0_i32_0 : i32, i32, i32
  }
  func.func @transform_2(%arg0: i32) -> (i32, i32) {
    %add3A = arith.constant 12 : i32
    %add3A_0 = arith.addi %arg0, %add3A : i32
    %c0_i32 = arith.constant 0 : i32
    %c0_i32_1 = arith.constant 0 : i32
    return %c0_i32, %add3A_0 : i32, i32
  }
  func.func @transform_3(%arg0: i32) -> (i32, i32) {
    %add3A = arith.constant 12 : i32
    %add3A_0 = arith.addi %arg0, %add3A : i32
    %c0_i32 = arith.constant 0 : i32
    %c0_i32_1 = arith.constant 0 : i32
    return %add3A_0, %c0_i32 : i32, i32
  }
  func.func @transform_4(%arg0: i32) -> (i32, i32) {
    %c0_i32 = arith.constant 0 : i32
    %c0_i32_0 = arith.constant 0 : i32
    %c0_i32_1 = arith.constant 0 : i32
    return %c0_i32, %c0_i32_0 : i32, i32
  }
  func.func @transform_5(%arg0: i32) -> (i32, i32) {
    %c0_i32 = arith.constant 0 : i32
    %c0_i32_0 = arith.constant 0 : i32
    %c0_i32_1 = arith.constant 0 : i32
    return %c0_i32, %c0_i32_0 : i32, i32
  }
  func.func @transform_6(%arg0: i32) -> (i32, i32) {
    %c0_i32 = arith.constant 0 : i32
    %c0_i32_0 = arith.constant 0 : i32
    %c0_i32_1 = arith.constant 0 : i32
    return %c0_i32, %c0_i32_0 : i32, i32
  }
  func.func @transform_7(%arg0: i32) -> (i32, i32) {
    %c0_i32 = arith.constant 0 : i32
    %c0_i32_0 = arith.constant 0 : i32
    %c0_i32_1 = arith.constant 0 : i32
    return %c0_i32, %c0_i32_0 : i32, i32
  }
  func.func @transform_8(%arg0: i32) -> (i32, i32) {
    %c0_i32 = arith.constant 0 : i32
    %c0_i32_0 = arith.constant 0 : i32
    return %arg0, %c0_i32 : i32, i32
  }
  func.func @transform_9(%arg0: i32) -> (i32, i32) {
    %c0_i32 = arith.constant 0 : i32
    %c0_i32_0 = arith.constant 0 : i32
    %c0_i32_1 = arith.constant 0 : i32
    return %c0_i32, %c0_i32_0 : i32, i32
  }
  func.func @transform_10(%arg0: i32) -> (i32, i32) {
    %c0_i32 = arith.constant 0 : i32
    %c0_i32_0 = arith.constant 0 : i32
    %c0_i32_1 = arith.constant 0 : i32
    return %c0_i32, %c0_i32_0 : i32, i32
  }
}

module attributes {stable_mosaic.version = 14 : i64} {
  func.func @_final_kernel(%arg0: i32, %arg1: memref<2000x128xf32, #tpu.memory_space<vmem>>, %arg2: memref<2000x128xf32, #tpu.memory_space<vmem>>, %arg3: memref<1x128xf32, #tpu.memory_space<vmem>>, %arg4: memref<1x128xf32, #tpu.memory_space<vmem>>, %arg5: memref<2000x128xf32, #tpu.memory_space<vmem>>) attributes {dimension_semantics = [#tpu.dimension_semantics<arbitrary>], iteration_bounds = array<i64: 5>, scalar_prefetch = 0 : i64, scratch_operands = 0 : i64, tpu.core_type = #tpu.core_type<tc>, window_params = [{transform_indices = @transform_0, window_bounds = array<i64: 2000, 128>}, {transform_indices = @transform_1, window_bounds = array<i64: 2000, 128>}, {pipeline_mode = #tpu.pipeline_mode<synchronous>, transform_indices = @transform_2, window_bounds = array<i64: 1, 128>}, {pipeline_mode = #tpu.pipeline_mode<synchronous>, transform_indices = @transform_3, window_bounds = array<i64: 1, 128>}, {transform_indices = @transform_4, window_bounds = array<i64: 2000, 128>}]} {
    %get3A = arith.constant 0 : index
    %get3A_0 = arith.constant 0 : index
    %get3A_1 = vector.load %arg2[%get3A, %get3A_0] : memref<2000x128xf32, #tpu.memory_space<vmem>>, vector<2000x128xf32>
    %get3A_2 = arith.constant 0 : index
    %get3A_3 = arith.constant 0 : index
    %get3A_4 = vector.load %arg3[%get3A_2, %get3A_3] : memref<1x128xf32, #tpu.memory_space<vmem>>, vector<1x128xf32>
    %mul3A = vector.broadcast %get3A_4 : vector<1x128xf32> to vector<2000x128xf32>
    %mul3A_5 = arith.mulf %get3A_1, %mul3A : vector<2000x128xf32>
    %get3A_6 = arith.constant 0 : index
    %get3A_7 = arith.constant 0 : index
    %get3A_8 = vector.load %arg4[%get3A_6, %get3A_7] : memref<1x128xf32, #tpu.memory_space<vmem>>, vector<1x128xf32>
    %add3A = vector.broadcast %get3A_8 : vector<1x128xf32> to vector<2000x128xf32>
    %add3A_9 = arith.addf %mul3A_5, %add3A : vector<2000x128xf32>
    %get3A_10 = arith.constant 0 : index
    %get3A_11 = arith.constant 0 : index
    %get3A_12 = vector.load %arg1[%get3A_10, %get3A_11] : memref<2000x128xf32, #tpu.memory_space<vmem>>, vector<2000x128xf32>
    %add3A_13 = arith.addf %get3A_12, %add3A_9 : vector<2000x128xf32>
    %custom_jvp_call3A = arith.constant 0.000000e+00 : f32
    %max3A = vector.broadcast %custom_jvp_call3A : f32 to vector<2000x128xf32>
    %max3A_14 = arith.maximumf %add3A_13, %max3A : vector<2000x128xf32>
    %sub3A = vector.broadcast %custom_jvp_call3A : f32 to vector<2000x128xf32>
    %sub3A_15 = arith.subf %add3A_13, %sub3A : vector<2000x128xf32>
    %ne3A = arith.cmpf one, %sub3A_15, %sub3A_15 : vector<2000x128xf32>
    %add3A_16 = vector.broadcast %custom_jvp_call3A : f32 to vector<2000x128xf32>
    %add3A_17 = arith.addf %add3A_13, %add3A_16 : vector<2000x128xf32>
    %abs3A = math.absf %sub3A_15 : vector<2000x128xf32>
    %neg3A = arith.constant 0.000000e+00 : f32
    %neg3A_18 = vector.broadcast %neg3A : f32 to vector<2000x128xf32>
    %neg3A_19 = arith.subf %neg3A_18, %abs3A : vector<2000x128xf32>
    %exp3A = math.exp %neg3A_19 : vector<2000x128xf32>
    %log1p3A = math.log1p %exp3A : vector<2000x128xf32>
    %add3A_20 = arith.addf %max3A_14, %log1p3A : vector<2000x128xf32>
    %select_n3A = arith.select %ne3A, %add3A_17, %add3A_20 : vector<2000x128xi1>, vector<2000x128xf32>
    %swap3A = arith.constant 0 : index
    %swap3A_21 = arith.constant 0 : index
    %swap3A_22 = vector.load %arg5[%swap3A, %swap3A_21] : memref<2000x128xf32, #tpu.memory_space<vmem>>, vector<2000x128xf32>
    tpu.vector_store %arg5[%swap3A, %swap3A_21], %select_n3A {strides = array<i32>} : memref<2000x128xf32, #tpu.memory_space<vmem>>, vector<2000x128xf32>,
    return
  }
  func.func @transform_0(%arg0: i32) -> (i32, i32) {
    %c0_i32 = arith.constant 0 : i32
    %c0_i32_0 = arith.constant 0 : i32
    return %arg0, %c0_i32 : i32, i32
  }
  func.func @transform_1(%arg0: i32) -> (i32, i32) {
    %c0_i32 = arith.constant 0 : i32
    %c0_i32_0 = arith.constant 0 : i32
    return %arg0, %c0_i32 : i32, i32
  }
  func.func @transform_2(%arg0: i32) -> (i32, i32) {
    %c0_i32 = arith.constant 0 : i32
    %c0_i32_0 = arith.constant 0 : i32
    %c0_i32_1 = arith.constant 0 : i32
    return %c0_i32, %c0_i32_0 : i32, i32
  }
  func.func @transform_3(%arg0: i32) -> (i32, i32) {
    %c0_i32 = arith.constant 0 : i32
    %c0_i32_0 = arith.constant 0 : i32
    %c0_i32_1 = arith.constant 0 : i32
    return %c0_i32, %c0_i32_0 : i32, i32
  }
  func.func @transform_4(%arg0: i32) -> (i32, i32) {
    %c0_i32 = arith.constant 0 : i32
    %c0_i32_0 = arith.constant 0 : i32
    return %arg0, %c0_i32 : i32, i32
  }
}

</mosaic_0001>

<sc_bundles>
// kernel: kernel.12.cloned.1.call-start
scs
__scs_entry_jumppad:
0x0: {  	(pc) =	sbr.rel $0x88, $3  }
0x1: {  	(tag) =	ssettag $0x0;
	lr =	simm.s32 $0x1  }
0x2: {  	[smem:$0x3F97] =	sst lr;
	_ =	strace $0xD0000000  }
0x3: {  	_ = 	snop  }
0x4: {  	_ = 	snop  }
0x5: {  	_ = 	snop  }
0x6: {  	_ = 	snop  }
0x7: {  	_ = 	snop  }
__scs_overlays_trampoline_lowered:
0x8: {  	[smem:$0x3FA6] =	sst s0  }
0x9: {  	[smem:$0x3FA7] =	sst s1  }
0xa: {  	[smem:$0x3FA8] =	sst s2  }
0xb: {  	[smem:$0x3FA9] =	sst s3  }
0xc: {  	[smem:$0x3FAA] =	sst s4  }
0xd: {  	[smem:$0x3FAB] =	sst s5  }
0xe: {  	[smem:$0x3FAC] =	sst s6  }
0xf: {  	[smem:$0x3FAD] =	sst s7  }
0x10: {  	[smem:$0x3FAE] =	sst s8  }
0x11: {  	[smem:$0x3FAF] =	sst s9;
	s0 =	simm.s32 @!p0 $0x0  }
0x12: {  	s1 =	sld [smem:$0x3F95];
	s0 =	simm.s32 @p0 $0x1  }
0x13: {  	[smem:$0x3FB0] =	sst s0;
	s0 =	simm.s32 @!p1 $0x0  }
0x14: {  	s2 =	sld [smem:$0x3F94];
	s0 =	simm.s32 @p1 $0x1  }
0x15: {  	[smem:$0x3FB1] =	sst s0;
	s0 =	simm.s32 @!p2 $0x0  }
0x16: {  	s3 =	sld [smem:$0x3FDB];
	s0 =	simm.s32 @p2 $0x1  }
0x17: {  	s4 =	simm.s32 $0x1BF5;
	[smem:$0x3FB3] =	sst s0  }
0x18: {  	s0 =	sld [smem:$0x3F96];
	_ =	swait.ge [sflag:s4], $0x0  }
0x19: {  	s7 =	sld [smem:$0x3F97]  }
0x1a: {  	s8 =	sadd.s32 $0xFFFFE003, lr  }
0x1b: {  	s9 =	sadd.s32 $0xFFFFFEF7, lr;
	s5 =	simm.s32 $0xFFFFFFFF;
	p2 =	slt.u32 s8, $0xFFFFF086  }
0x1c: {  	p1 =	slt.u32 s9, $0xF7A;
	s5 =	simm.s32 @!p2 $0x0  }
0x1d: {  	s5 =	simm.s32 @p1 $0x1;
	p0 =	seq.s32 s7, s2  }
0x1e: {  	s7 =	smul.u32 @!p0 $0xF7A, s2;
	p2 =	seq.s32 @!p0 s5, $0x0  }
0x1f: {  	s9 =	smul.u32 $0xF7A, s1;
	s8 =	simm.s32 @!p0 $0x1BF5;
	p2 =	por !p2, p0  }
0x20: {  	[sflag:s8] =	ssyncset.s32 @!p0 $0xFFFFF086;
	s6 =	sadd.s32 @!p0 s3, s7;
	s7 =	simm.s32 @!p0 $0x108  }
0x21: {  	s3 =	sadd.s32 s3, s9;
	s6 =	sadd.s32 @!p0 $0x88, s6;
	s7 =	simm.s32 @p2 $0x1082  }
0x22: {  	[simem:s7], [sflag:s8] =	dma.local @!p0 [hbm:s6], $0xF7A  }
0x23: {  	s9 =	sor.u32 $0xD0000000, s2;
	s6 =	simm.s32 $0x108;
	_ =	swait.ge @!p0 [sflag:s8], $0x0  }
0x24: {  	s3 =	sadd.s32 $0x88, s3;
	s6 =	simm.s32 @!p1 $0x1082;
	[sflag:s4] =	ssyncset.s32 $0xFFFFF086  }
0x25: {  	[simem:s6], [sflag:s4] =	dma.local [hbm:s3], $0xF7A  }
0x26: {  	[smem:$0x3F97] =	sst s1;
	(tag) =	ssettag s2;
	_ =	strace s9  }
0x27: {  	s1 =	sld [smem:$0x3FA7]  }
0x28: {  	s2 =	sld [smem:$0x3FA8]  }
0x29: {  	s4 =	sld [smem:$0x3FAA]  }
0x2a: {  	p0 =	seq.s32 s5, $0x0;
	s5 =	sld [smem:$0x3FAB]  }
0x2b: {  	s6 =	sld [smem:$0x3FAC]  }
0x2c: {  	s7 =	sld [smem:$0x3FAD]  }
0x2d: {  	s3 =	simm.s32 $0x108;
	s8 =	sld [smem:$0x3FAE]  }
0x2e: {  	s3 =	simm.s32 @!p0 $0x1082;
	s9 =	sld [smem:$0x3FAF]  }
0x2f: {  	lr =	sadd.s32 s0, s3;
	s0 =	sld [smem:$0x3FA6]  }
0x30: {  	s3 =	sld [smem:$0x3FA9]  }
0x31: {  	[smem:$0x3FB2] =	sst s10  }
0x32: {  	s10 =	sld [smem:$0x3FB0];
	_ =	sdelay $0x3  }
0x33: {  	p0 =	seq.s32 s10, $0x1;
	s10 =	sld [smem:$0x3FB2];
	_ =	sdelay $0x3  }
0x34: {  	[smem:$0x3FB2] =	sst s10  }
0x35: {  	s10 =	sld [smem:$0x3FB1];
	_ =	sdelay $0x3  }
0x36: {  	p1 =	seq.s32 s10, $0x1;
	s10 =	sld [smem:$0x3FB2];
	_ =	sdelay $0x3  }
0x37: {  	[smem:$0x3FB2] =	sst s10  }
0x38: {  	s10 =	sld [smem:$0x3FB3]  }
0x39: {  	_ = 	snop;
	(pc) =	sbr.ind lr, $3  }
0x3a: {  	_ = 	snop  }
0x3b: {  	_ = 	snop  }
0x3c: {  	p2 =	seq.s32 s10, $0x1;
	s10 =	sld [smem:$0x3FB2]  }
0x3d: {  	_ =	shalt  }
0x3e: {  	_ =	shalt  }
0x3f: {  	_ =	shalt  }
0x40: {  	_ =	shalt  }
0x41: {  	_ =	shalt  }
0x42: {  	_ =	shalt  }
0x43: {  	_ =	shalt  }
0x44: {  	_ =	shalt  }
0x45: {  	_ =	shalt  }
0x46: {  	_ =	shalt  }
0x47: {  	_ =	shalt  }
0x48: {  	_ =	shalt  }
0x49: {  	_ =	shalt  }
0x4a: {  	_ =	shalt  }
0x4b: {  	_ =	shalt  }
0x4c: {  	_ =	shalt  }
0x4d: {  	_ =	shalt  }
0x4e: {  	_ =	shalt  }
0x4f: {  	_ =	shalt  }
0x50: {  	_ =	shalt  }
0x51: {  	_ =	shalt  }
0x52: {  	_ =	shalt  }
0x53: {  	_ =	shalt  }
0x54: {  	_ =	shalt  }
0x55: {  	_ =	shalt  }
0x56: {  	_ =	shalt  }
0x57: {  	_ =	shalt  }
0x58: {  	_ =	shalt  }
0x59: {  	_ =	shalt  }
0x5a: {  	_ =	shalt  }
0x5b: {  	_ =	shalt  }
0x5c: {  	_ =	shalt  }
0x5d: {  	_ =	shalt  }
0x5e: {  	_ =	shalt  }
0x5f: {  	_ =	shalt  }
0x60: {  	_ =	shalt  }
0x61: {  	_ =	shalt  }
0x62: {  	_ =	shalt  }
0x63: {  	_ =	shalt  }
0x64: {  	_ =	shalt  }
0x65: {  	_ =	shalt  }
0x66: {  	_ =	shalt  }
0x67: {  	_ =	shalt  }
0x68: {  	_ =	shalt  }
0x69: {  	_ =	shalt  }
0x6a: {  	_ =	shalt  }
0x6b: {  	_ =	shalt  }
0x6c: {  	_ =	shalt  }
0x6d: {  	_ =	shalt  }
0x6e: {  	_ =	shalt  }
0x6f: {  	_ =	shalt  }
0x70: {  	_ =	shalt  }
0x71: {  	_ =	shalt  }
0x72: {  	_ =	shalt  }
0x73: {  	_ =	shalt  }
0x74: {  	_ =	shalt  }
0x75: {  	_ =	shalt  }
0x76: {  	_ =	shalt  }
0x77: {  	_ =	shalt  }
0x78: {  	_ =	shalt  }
0x79: {  	_ =	shalt  }
0x7a: {  	_ =	shalt  }
0x7b: {  	_ =	shalt  }
0x7c: {  	_ =	shalt  }
0x7d: {  	_ =	shalt  }
0x7e: {  	_ =	shalt  }
0x7f: {  	_ =	shalt  }
0x80: {  	_ =	shalt  }
0x81: {  	_ =	shalt  }
0x82: {  	_ =	shalt  }
0x83: {  	_ =	shalt  }
0x84: {  	_ =	shalt  }
0x85: {  	_ =	shalt  }
0x86: {  	_ =	shalt  }
0x87: {  	_ =	shalt  }
.Lfunc_end0:
.L_simem_size_0:
called_computation.1_lowered:
.L_overlay_start_0:
0x88: {  	s2 =	sld [smem:$0x3FD9]  }
0x89: {  	s3 =	sld [smem:$0x3FFE];
	_ =	sdelay $0x1  }
0x8a: {  	s1 =	srdreg.scid  }
0x8b: {  	s0 =	sand.u32 $0x1, s1  }
0x8c: {  	s17 =	sshll.u32 s0, $0xA;
	s2 =	sadd.s32 s3, s2  }
0x8d: {  	s2 =	sadd.s32 s2, s17  }
0x8e: {  	[smem:$0x3FBE] =	sst s2  }
0x8f: {  	_ = 	snop  }
0x90: {  	s2 =	sld [smem:$0x3FC9]  }
0x91: {  	s18 =	sld [smem:$0x3FD0];
	(tm) =	ssettm $0x1  }
0x92: {  	s4 =	sld [smem:$0x3FFB];
	_ =	sdelay $0x3  }
0x93: {  	_ =	strace s4  }
0x94: {  	s4 =	sld [smem:$0x3FFC];
	_ =	sdelay $0x3  }
0x95: {  	_ =	strace s4  }
0x96: {  	s4 =	sld [smem:$0x3FFD];
	_ =	sdelay $0x3  }
0x97: {  	_ =	strace s4  }
0x98: {  	_ =	strace $0x8FFFFFFF  }
0x99: {  	s19 =	sld [smem:$0x3FDB];
	_ =	sdelay $0x1  }
0x9a: {  	s5 =	simm.s32 $_scs_section_size  }
0x9b: {  	s6 =	simm.s32 $_size__tile_overlayer_lowered;
	s7 =	simm.s32 $_tile_overlayer_lowered  }
0x9c: {  	s22 =	simm.s32 $0x1BFF;
	s21 =	sshll.u32 s7, $0x1;
	s4 =	sadd.s32 s5, s19  }
0x9d: {  	s8 =	simm.s32 $0x0;
	s20 =	sshll.u32 s6, $0x1;
	s6 =	sadd.s32 s21, s4  }
0x9e: {  	[timem:s8], [sflag:s22] =	dma.local [hbm:s6], s20  }
0x9f: {  	_ =	swait.ge [sflag:s22], s20  }
0xa0: {  	s5 =	ssub.s32 $0x0, s20;
	[sflag:s22] =	ssyncset.done $0x0  }
0xa1: {  	[sflag:s22] =	ssyncadd.s32 s5;
	_ =	sdelay $0x1  }
0xa2: {  	s23 =	simm.s32 $0x1B8B  }
0xa3: {  	_ =	swait.ge [sflag:s23], $0x1  }
0xa4: {  	[sflag:s23] =	ssyncset.done $0x0  }
0xa5: {  	s25 =	simm.s32 $0x1B8E;
	s24 =	sld [smem:$0x3FFE];
	[sflag:s23] =	ssyncadd.s32 $0xFFFFFFFF  }
0xa6: {  	s26 =	simm.s32 $execute0_lowered;
	[smem:$0x3FD2] =	sst s25  }
0xa7: {  	s6 =	sshll.u32 s26, $0x1;
	_ =	strace $0x80000046;
	[dreg:$0x1] =	wrdreg $0xFFFFFFFF  }
0xa8: {  	s28 =	simm.s32 $_size_execute0_lowered;
	s4 =	sadd.s32 s4, s6;
	[dreg:$0x0] =	wrdreg $0x0  }
0xa9: {  	s6 =	sshll.u32 s28, $0x1;
	[dreg:$0x2] =	wrdreg s4  }
0xaa: {  	[dreg:$0x3] =	wrdreg s6  }
0xab: {  	[dreg:$0x4] =	wrdreg $0xC0  }
0xac: {  	_ =	task [dreg:s8], $0x5FFFF  }
0xad: {  	[dreg:$0x1] =	wrdreg $0xFFFFFFFF  }
0xae: {  	[dreg:$0x0] =	wrdreg $0x60  }
0xaf: {  	[dreg:$0x2] =	wrdreg s2  }
0xb0: {  	[dreg:$0x3] =	wrdreg s18  }
0xb1: {  	[dreg:$0x4] =	wrdreg s24  }
0xb2: {  	[dreg:$0x5] =	wrdreg $0xA  }
0xb3: {  	_ =	task.clear_ibuf [dreg:s8], $0x6FFFF;
	_ =	strace $0x90000046  }
0xb4: {  	s29 =	simm.s32 $0xA;
	_ =	strace $0x80000048  }
0xb5: {  	_ =	swait.ge [sflag:s29], $0x1  }
0xb6: {  	[sflag:s29] =	ssyncadd.s32 $0xFFFFFFFF  }
0xb7: {  	_ =	strace $0x90000048  }
0xb8: {  	_ =	sfence  }
0xb9: {  	s30 =	sld [smem:$0x0];
	_ =	sdelay $0x2  }
0xba: {  	s31 =	sshll.u32 s1, $0xD;
	s1 =	sshrl.u32 s1, $0x2  }
0xbb: {  	s3 =	sand.u32 $0x4000, s31;
	s1 =	sadd.s32 s1, s30  }
0xbc: {  	s0 =	sor.u32 s3, s0;
	s1 =	sshll.u32 s1, $0x11  }
0xbd: {  	s0 =	sor.u32 s1, s0  }
0xbe: {  	s0 =	sadd.s32 $0x8F2B, s0  }
0xbf: {  	[sflag:s0] =	ssyncadd.remote.s32 $0x1  }
0xc0: {  	_ =	sfence.sel $0xFFFF  }
0xc1: {  	[dreg:$0x0] =	wrdreg $0xFFFFFFFF;
	(pc) =	sbr.abs _section_cstart, $3  }
0xc2: {  	[dreg:$0x1] =	wrdreg $0xFFFFFFFF  }
0xc3: {  	_ =	task.clear_ibuf [dreg:s8], $0x2FFFF;
	_ =	strace $0x9FFFFFFF  }
0xc4: {  	(tm) =	ssettm $0x7FFFFFFF  }
0xc5: {  	_ =	shalt  }
tec
execute0_lowered:
.L_overlay_start_1:
0x0: {  	(tag) =	ssettag $0x1  }
0x1: {  	s1 =	rddreg [dreg:$0x0]  }
0x2: {  	s4 =	rddreg [dreg:$0x1]  }
0x3: {  	s5 =	rddreg [dreg:$0x2];
	s3 =	simm.s32 $0x0  }
0x4: {  	s0 =	stileid.u32;
	s6 =	srdreg.scid;
	s10 =	simm.s32 $0x3C80  }
0x5: {  	s12 =	simm.s32 $0x6480;
	s13 =	simm.s32 $0xF0;
	s14 =	simm.s32 $0x8C80  }
0x6: {  	s15 =	simm.s32 $0x140;
	s16 =	simm.s32 $0xB480;
	s17 =	simm.s32 $0x1  }
0x7: {  	s18 =	simm.s32 $0x6;
	s19 =	simm.s32 $0x2;
	s20 =	simm.s32 $0x7  }
0x8: {  	s21 =	simm.s32 $0x3;
	s22 =	simm.s32 $0x8;
	s23 =	simm.s32 $0x4  }
0x9: {  	s24 =	simm.s32 $0x9;
	s25 =	simm.s32 $0x5;
	s26 =	simm.s32 $0xA  }
0xa: {  	s7 =	smul.u32 $0x28A00, s0;
	s6 =	sand.u32 $0x1, s6;
	s8 =	sshll.u32 s0, $0x1  }
0xb: {  	s9 =	ssub.s32 $0x2, s6;
	s8 =	sor.u32 s6, s8;
	s6 =	smul.u32 $0x14500, s6  }
.Ltmp0:
0xc: {  	s28 =	simm.s32 $0x0;
	[smem:$0x7FF] =	sst s3;
	(pc) =	sbr.rel .LBB2_1-.Ltmp0, $4  }
0xd: {  	s5 =	sadd.s32 s7, s5;
	s31 =	sshrl.u32 s9, $0x1;
	s8 =	smul.u32 $0x28A, s8  }
0xe: {  	_ =	strace $0x80000047;
	s7 =	ssub.s32 s9, s31;
	s6 =	sadd.s32 s6, s5  }
0xf: {  	s9 =	simm.s32 $0x1480;
	s4 =	sadd.s32 s4, s8;
	s5 =	smax.u32 s7, $0x1  }
0x10: {  	s6 =	sadd.s32 $0x5A00, s6;
	s7 =	simm.s32 $0xB;
	s8 =	simm.s32 $0x50  }
.LBB2_4:
0x11: {  	s28 =	sadd.s32 $0x1, s28  }
0x12: {  	p0 =	sne.s32 s28, s5  }
.Ltmp1:
0x13: {  	_ = 	snop;
	(pc) =	sbr.rel @!p0 .LBB2_5-.Ltmp1, $1  }
0x14: {  	_ =	sdelay $0x3  }
.LBB2_1:
0x15: {  	[tilespmem:s3], [sflag:$0xB] =	stream.linear.gather [hbm4b:s4+s3], $0x1450, $0x38;
	[tilespmem:$0xDC80] =	vst v63  }
0x16: {  	_ =	swait.ge [sflag:s7], $0x1450  }
0x17: {  	[sflag:s7] =	ssyncset.done $0x0  }
0x18: {  	[sflag:s7] =	ssyncadd.s32 $0xFFFFEBB0  }
0x19: {  	[tilespmem:s9], [sflag:$0x1] =	stream.indirect.gather [hbm4b:s1+s8], $0x80, s3, s8, $0xb8;
	[tilespmem:$0xDC80] =	vst v63  }
0x1a: {  	_ = 	snop  }
0x1b: {  	[tilespmem:s10], [sflag:$0x2] =	stream.indirect.gather [hbm4b:s1+s8], $0x80, s8, s8, $0xb8;
	[tilespmem:$0xDC80] =	vst v63  }
0x1c: {  	s0 =	simm.s32 $0xA0  }
0x1d: {  	[tilespmem:s12], [sflag:$0x3] =	stream.indirect.gather [hbm4b:s1+s8], $0x80, s0, s8, $0xb8;
	[tilespmem:$0xDC80] =	vst v63  }
0x1e: {  	_ = 	snop  }
0x1f: {  	[tilespmem:s14], [sflag:$0x4] =	stream.indirect.gather [hbm4b:s1+s8], $0x80, s13, s8, $0xb8;
	[tilespmem:$0xDC80] =	vst v63  }
0x20: {  	s29 =	smov.u32 s6;
	s30 =	simm.s32 $0x0  }
0x21: {  	[tilespmem:s16], [sflag:$0x5] =	stream.indirect.gather [hbm4b:s1+s8], $0x80, s15, s8, $0xb8;
	[tilespmem:$0xDC80] =	vst v63  }
.LBB2_2:
0x22: {  	_ =	swait.ge [sflag:s17], $0x2800  }
0x23: {  	[sflag:s17] =	ssyncset.done $0x0  }
0x24: {  	s31 =	sadd.s32 $0xFFFFEC00, s29;
	[sflag:s17] =	ssyncadd.s32 $0xFFFFD800  }
0x25: {  	[hbm4b:s31+s3] =	stream.linear.scatter [tilespmem:s9], [sflag:$0x6], $0x2800, $0x38;
	[tilespmem:$0xDC80] =	vst v63  }
0x26: {  	p0 =	seq.s32 s30, $0x4B00;
	_ =	swait.ge [sflag:s18], $0x2800  }
0x27: {  	s2 =	simm.s32 @!p0 $0x50;
	s31 =	sshra.s32 @!p0 s30, $0x2;
	[sflag:s18] =	ssyncset.done $0x0  }
0x28: {  	s11 =	simm.s32 @!p0 $0x1480;
	s0 =	sadd.s32 @!p0 $0x190, s31;
	[sflag:s18] =	ssyncadd.s32 $0xFFFFD800  }
0x29: {  	[tilespmem:s11], [sflag:$0x1] =	stream.indirect.gather @!p0 [hbm4b:s1+s2], $0x80, s0, s2, $0xb8;
	[tilespmem:$0xDC80] =	vst v63  }
0x2a: {  	_ =	swait.ge [sflag:s19], $0x2800  }
0x2b: {  	[sflag:s19] =	ssyncset.done $0x0  }
0x2c: {  	s11 =	sadd.s32 $0xFFFFF100, s29;
	[sflag:s19] =	ssyncadd.s32 $0xFFFFD800  }
0x2d: {  	[hbm4b:s11+s3] =	stream.linear.scatter [tilespmem:s10], [sflag:$0x7], $0x2800, $0x38;
	[tilespmem:$0xDC80] =	vst v63  }
0x2e: {  	_ =	swait.ge [sflag:s20], $0x2800  }
0x2f: {  	[sflag:s20] =	ssyncset.done $0x0  }
0x30: {  	s0 =	sadd.s32 @!p0 $0x1E0, s31;
	s11 =	simm.s32 @!p0 $0x3C80;
	[sflag:s20] =	ssyncadd.s32 $0xFFFFD800  }
0x31: {  	[tilespmem:s11], [sflag:$0x2] =	stream.indirect.gather @!p0 [hbm4b:s1+s2], $0x80, s0, s2, $0xb8;
	[tilespmem:$0xDC80] =	vst v63  }
0x32: {  	_ =	swait.ge [sflag:s21], $0x2800  }
0x33: {  	[sflag:s21] =	ssyncset.done $0x0  }
0x34: {  	s11 =	sadd.s32 $0xFFFFF600, s29;
	[sflag:s21] =	ssyncadd.s32 $0xFFFFD800  }
0x35: {  	[hbm4b:s11+s3] =	stream.linear.scatter [tilespmem:s12], [sflag:$0x8], $0x2800, $0x38;
	[tilespmem:$0xDC80] =	vst v63  }
0x36: {  	_ =	swait.ge [sflag:s22], $0x2800  }
0x37: {  	[sflag:s22] =	ssyncset.done $0x0  }
0x38: {  	s0 =	sadd.s32 @!p0 $0x230, s31;
	s11 =	simm.s32 @!p0 $0x6480;
	[sflag:s22] =	ssyncadd.s32 $0xFFFFD800  }
0x39: {  	[tilespmem:s11], [sflag:$0x3] =	stream.indirect.gather @!p0 [hbm4b:s1+s2], $0x80, s0, s2, $0xb8;
	[tilespmem:$0xDC80] =	vst v63  }
0x3a: {  	_ =	swait.ge [sflag:s23], $0x2800  }
0x3b: {  	[sflag:s23] =	ssyncset.done $0x0  }
0x3c: {  	s11 =	sadd.s32 $0xFFFFFB00, s29;
	[sflag:s23] =	ssyncadd.s32 $0xFFFFD800  }
0x3d: {  	[hbm4b:s11+s3] =	stream.linear.scatter [tilespmem:s14], [sflag:$0x9], $0x2800, $0x38;
	[tilespmem:$0xDC80] =	vst v63  }
0x3e: {  	_ =	swait.ge [sflag:s24], $0x2800  }
0x3f: {  	[sflag:s24] =	ssyncset.done $0x0  }
0x40: {  	s0 =	sadd.s32 @!p0 $0x280, s31;
	s11 =	simm.s32 @!p0 $0x8C80;
	[sflag:s24] =	ssyncadd.s32 $0xFFFFD800  }
0x41: {  	[tilespmem:s11], [sflag:$0x4] =	stream.indirect.gather @!p0 [hbm4b:s1+s2], $0x80, s0, s2, $0xb8;
	[tilespmem:$0xDC80] =	vst v63  }
0x42: {  	_ =	swait.ge [sflag:s25], $0x2800  }
0x43: {  	[sflag:s25] =	ssyncset.done $0x0  }
.Ltmp2:
0x44: {  	[sflag:s25] =	ssyncadd.s32 $0xFFFFD800;
	(pc) =	sbr.rel @p0 .LBB2_4-.Ltmp2, $4  }
0x45: {  	[hbm4b:s29+s3] =	stream.linear.scatter [tilespmem:s16], [sflag:$0xA], $0x2800, $0x38;
	[tilespmem:$0xDC80] =	vst v63  }
0x46: {  	_ =	swait.ge [sflag:s26], $0x2800  }
0x47: {  	[sflag:s26] =	ssyncset.done $0x0  }
0x48: {  	[sflag:s26] =	ssyncadd.s32 $0xFFFFD800  }
.Ltmp3:
0x49: {  	(pc) =	sbr.rel .LBB2_2-.Ltmp3, $4  }
0x4a: {  	_ = 	snop  }
0x4b: {  	s0 =	sshra.s32 s30, $0x2  }
0x4c: {  	s30 =	sadd.s32 $0x640, s30;
	s29 =	sadd.s32 $0x1900, s29;
	s0 =	sadd.s32 $0x2D0, s0  }
0x4d: {  	[tilespmem:s16], [sflag:$0x5] =	stream.indirect.gather [hbm4b:s1+s8], $0x80, s0, s8, $0xb8;
	[tilespmem:$0xDC80] =	vst v63  }
.LBB2_5:
0x4e: {  	_ =	sfence.sel $0x180000  }
0x4f: {  	[bflag:$0x0] =	sbarrier.arrive $0xFFFF  }
0x50: {  	_ =	strace $0x90000047  }
0x51: {  	s0 =	stileid.u32;
	[bflag:$0x2] =	sbarrier.arrive $0xFFFF  }
0x52: {  	p0 =	sne.s32 s0, $0x0;
	s0 =	rddreg [dreg:$0x3]  }
0x53: {  	s0 =	sadd.s32 @!p0 $0x100000, s0  }
0x54: {  	[sflag:s0] =	ssyncadd.tile.s32 @!p0 $0x1;
	_ =	shalt  }
.Lfunc_end2:
_tile_overlayer_lowered:
.L_overlay_start_2:
0x55: {  	(tag) =	ssettag $0x2  }
0x56: {  	s0 =	rddreg [dreg:$0x0];
	s2 =	stileid.u32  }
0x57: {  	s1 =	rddreg [dreg:$0x1];
	p0 =	sne.s32 s2, $0x0  }
0x58: {  	s3 =	rddreg [dreg:$0x2];
	[bflag:$0x3] =	sbarrier.arrive $0xFFFF;
	s2 =	simm.s32 @!p0 $0x1C0B  }
0x59: {  	[timem:s3], [sflag:s2] =	dma.local @!p0 [hbm:s0], s1  }
0x5a: {  	s0 =	simm.s32 @!p0 $0xB  }
0x5b: {  	_ =	swait.ge @!p0 [sflag:s0], s1  }
0x5c: {  	s1 =	ssub.s32 @!p0 $0x0, s1;
	[sflag:s0] =	ssyncset.done @!p0 $0x0  }
0x5d: {  	[sflag:s0] =	ssyncadd.s32 @!p0 s1  }
0x5e: {  	[bflag:$0x3] =	sbarrier.arrive $0xFFFF  }
0x5f: {  	_ =	shalt  }

// kernel: kernel.9.cloned.1.call-start
scs
__scs_entry_jumppad:
0x0: {  	(pc) =	sbr.rel $0x88, $3  }
0x1: {  	(tag) =	ssettag $0x0;
	lr =	simm.s32 $0x1  }
0x2: {  	[smem:$0x3F97] =	sst lr;
	_ =	strace $0xD0000000  }
0x3: {  	_ = 	snop  }
0x4: {  	_ = 	snop  }
0x5: {  	_ = 	snop  }
0x6: {  	_ = 	snop  }
0x7: {  	_ = 	snop  }
__scs_overlays_trampoline_lowered:
0x8: {  	[smem:$0x3FA6] =	sst s0  }
0x9: {  	[smem:$0x3FA7] =	sst s1  }
0xa: {  	[smem:$0x3FA8] =	sst s2  }
0xb: {  	[smem:$0x3FA9] =	sst s3  }
0xc: {  	[smem:$0x3FAA] =	sst s4  }
0xd: {  	[smem:$0x3FAB] =	sst s5  }
0xe: {  	[smem:$0x3FAC] =	sst s6  }
0xf: {  	[smem:$0x3FAD] =	sst s7  }
0x10: {  	[smem:$0x3FAE] =	sst s8  }
0x11: {  	[smem:$0x3FAF] =	sst s9;
	s0 =	simm.s32 @!p0 $0x0  }
0x12: {  	s1 =	sld [smem:$0x3F95];
	s0 =	simm.s32 @p0 $0x1  }
0x13: {  	[smem:$0x3FB0] =	sst s0;
	s0 =	simm.s32 @!p1 $0x0  }
0x14: {  	s2 =	sld [smem:$0x3F94];
	s0 =	simm.s32 @p1 $0x1  }
0x15: {  	[smem:$0x3FB1] =	sst s0;
	s0 =	simm.s32 @!p2 $0x0  }
0x16: {  	s3 =	sld [smem:$0x3FDB];
	s0 =	simm.s32 @p2 $0x1  }
0x17: {  	s4 =	simm.s32 $0x1BF5;
	[smem:$0x3FB3] =	sst s0  }
0x18: {  	s0 =	sld [smem:$0x3F96];
	_ =	swait.ge [sflag:s4], $0x0  }
0x19: {  	s7 =	sld [smem:$0x3F97]  }
0x1a: {  	s8 =	sadd.s32 $0xFFFFE003, lr  }
0x1b: {  	s9 =	sadd.s32 $0xFFFFFEF7, lr;
	s5 =	simm.s32 $0xFFFFFFFF;
	p2 =	slt.u32 s8, $0xFFFFF086  }
0x1c: {  	p1 =	slt.u32 s9, $0xF7A;
	s5 =	simm.s32 @!p2 $0x0  }
0x1d: {  	s5 =	simm.s32 @p1 $0x1;
	p0 =	seq.s32 s7, s2  }
0x1e: {  	s7 =	smul.u32 @!p0 $0xF7A, s2;
	p2 =	seq.s32 @!p0 s5, $0x0  }
0x1f: {  	s9 =	smul.u32 $0xF7A, s1;
	s8 =	simm.s32 @!p0 $0x1BF5;
	p2 =	por !p2, p0  }
0x20: {  	[sflag:s8] =	ssyncset.s32 @!p0 $0xFFFFF086;
	s6 =	sadd.s32 @!p0 s3, s7;
	s7 =	simm.s32 @!p0 $0x108  }
0x21: {  	s3 =	sadd.s32 s3, s9;
	s6 =	sadd.s32 @!p0 $0x88, s6;
	s7 =	simm.s32 @p2 $0x1082  }
0x22: {  	[simem:s7], [sflag:s8] =	dma.local @!p0 [hbm:s6], $0xF7A  }
0x23: {  	s9 =	sor.u32 $0xD0000000, s2;
	s6 =	simm.s32 $0x108;
	_ =	swait.ge @!p0 [sflag:s8], $0x0  }
0x24: {  	s3 =	sadd.s32 $0x88, s3;
	s6 =	simm.s32 @!p1 $0x1082;
	[sflag:s4] =	ssyncset.s32 $0xFFFFF086  }
0x25: {  	[simem:s6], [sflag:s4] =	dma.local [hbm:s3], $0xF7A  }
0x26: {  	[smem:$0x3F97] =	sst s1;
	(tag) =	ssettag s2;
	_ =	strace s9  }
0x27: {  	s1 =	sld [smem:$0x3FA7]  }
0x28: {  	s2 =	sld [smem:$0x3FA8]  }
0x29: {  	s4 =	sld [smem:$0x3FAA]  }
0x2a: {  	p0 =	seq.s32 s5, $0x0;
	s5 =	sld [smem:$0x3FAB]  }
0x2b: {  	s6 =	sld [smem:$0x3FAC]  }
0x2c: {  	s7 =	sld [smem:$0x3FAD]  }
0x2d: {  	s3 =	simm.s32 $0x108;
	s8 =	sld [smem:$0x3FAE]  }
0x2e: {  	s3 =	simm.s32 @!p0 $0x1082;
	s9 =	sld [smem:$0x3FAF]  }
0x2f: {  	lr =	sadd.s32 s0, s3;
	s0 =	sld [smem:$0x3FA6]  }
0x30: {  	s3 =	sld [smem:$0x3FA9]  }
0x31: {  	[smem:$0x3FB2] =	sst s10  }
0x32: {  	s10 =	sld [smem:$0x3FB0];
	_ =	sdelay $0x3  }
0x33: {  	p0 =	seq.s32 s10, $0x1;
	s10 =	sld [smem:$0x3FB2];
	_ =	sdelay $0x3  }
0x34: {  	[smem:$0x3FB2] =	sst s10  }
0x35: {  	s10 =	sld [smem:$0x3FB1];
	_ =	sdelay $0x3  }
0x36: {  	p1 =	seq.s32 s10, $0x1;
	s10 =	sld [smem:$0x3FB2];
	_ =	sdelay $0x3  }
0x37: {  	[smem:$0x3FB2] =	sst s10  }
0x38: {  	s10 =	sld [smem:$0x3FB3]  }
0x39: {  	_ = 	snop;
	(pc) =	sbr.ind lr, $3  }
0x3a: {  	_ = 	snop  }
0x3b: {  	_ = 	snop  }
0x3c: {  	p2 =	seq.s32 s10, $0x1;
	s10 =	sld [smem:$0x3FB2]  }
0x3d: {  	_ =	shalt  }
0x3e: {  	_ =	shalt  }
0x3f: {  	_ =	shalt  }
0x40: {  	_ =	shalt  }
0x41: {  	_ =	shalt  }
0x42: {  	_ =	shalt  }
0x43: {  	_ =	shalt  }
0x44: {  	_ =	shalt  }
0x45: {  	_ =	shalt  }
0x46: {  	_ =	shalt  }
0x47: {  	_ =	shalt  }
0x48: {  	_ =	shalt  }
0x49: {  	_ =	shalt  }
0x4a: {  	_ =	shalt  }
0x4b: {  	_ =	shalt  }
0x4c: {  	_ =	shalt  }
0x4d: {  	_ =	shalt  }
0x4e: {  	_ =	shalt  }
0x4f: {  	_ =	shalt  }
0x50: {  	_ =	shalt  }
0x51: {  	_ =	shalt  }
0x52: {  	_ =	shalt  }
0x53: {  	_ =	shalt  }
0x54: {  	_ =	shalt  }
0x55: {  	_ =	shalt  }
0x56: {  	_ =	shalt  }
0x57: {  	_ =	shalt  }
0x58: {  	_ =	shalt  }
0x59: {  	_ =	shalt  }
0x5a: {  	_ =	shalt  }
0x5b: {  	_ =	shalt  }
0x5c: {  	_ =	shalt  }
0x5d: {  	_ =	shalt  }
0x5e: {  	_ =	shalt  }
0x5f: {  	_ =	shalt  }
0x60: {  	_ =	shalt  }
0x61: {  	_ =	shalt  }
0x62: {  	_ =	shalt  }
0x63: {  	_ =	shalt  }
0x64: {  	_ =	shalt  }
0x65: {  	_ =	shalt  }
0x66: {  	_ =	shalt  }
0x67: {  	_ =	shalt  }
0x68: {  	_ =	shalt  }
0x69: {  	_ =	shalt  }
0x6a: {  	_ =	shalt  }
0x6b: {  	_ =	shalt  }
0x6c: {  	_ =	shalt  }
0x6d: {  	_ =	shalt  }
0x6e: {  	_ =	shalt  }
0x6f: {  	_ =	shalt  }
0x70: {  	_ =	shalt  }
0x71: {  	_ =	shalt  }
0x72: {  	_ =	shalt  }
0x73: {  	_ =	shalt  }
0x74: {  	_ =	shalt  }
0x75: {  	_ =	shalt  }
0x76: {  	_ =	shalt  }
0x77: {  	_ =	shalt  }
0x78: {  	_ =	shalt  }
0x79: {  	_ =	shalt  }
0x7a: {  	_ =	shalt  }
0x7b: {  	_ =	shalt  }
0x7c: {  	_ =	shalt  }
0x7d: {  	_ =	shalt  }
0x7e: {  	_ =	shalt  }
0x7f: {  	_ =	shalt  }
0x80: {  	_ =	shalt  }
0x81: {  	_ =	shalt  }
0x82: {  	_ =	shalt  }
0x83: {  	_ =	shalt  }
0x84: {  	_ =	shalt  }
0x85: {  	_ =	shalt  }
0x86: {  	_ =	shalt  }
0x87: {  	_ =	shalt  }
.Lfunc_end0:
.L_simem_size_0:
called_computation_lowered:
.L_overlay_start_0:
0x88: {  	s2 =	sld [smem:$0x3FD9]  }
0x89: {  	s3 =	sld [smem:$0x3FFE];
	_ =	sdelay $0x1  }
0x8a: {  	s1 =	srdreg.scid  }
0x8b: {  	s0 =	sand.u32 $0x1, s1  }
0x8c: {  	s17 =	sshll.u32 s0, $0xA;
	s2 =	sadd.s32 s3, s2  }
0x8d: {  	s2 =	sadd.s32 s2, s17  }
0x8e: {  	[smem:$0x3FBE] =	sst s2  }
0x8f: {  	_ = 	snop  }
0x90: {  	s18 =	sld [smem:$0x3FC9];
	(tm) =	ssettm $0x1  }
0x91: {  	s19 =	sld [smem:$0x3FFB];
	_ =	sdelay $0x3  }
0x92: {  	_ =	strace s19  }
0x93: {  	s2 =	sld [smem:$0x3FFC];
	_ =	sdelay $0x3  }
0x94: {  	_ =	strace s2  }
0x95: {  	s2 =	sld [smem:$0x3FFD];
	_ =	sdelay $0x3  }
0x96: {  	_ =	strace s2  }
0x97: {  	_ =	strace $0x8FFFFFFF  }
0x98: {  	s20 =	sld [smem:$0x3FDB];
	_ =	sdelay $0x1  }
0x99: {  	s4 =	simm.s32 $_scs_section_size  }
0x9a: {  	s5 =	simm.s32 $_size__tile_overlayer_lowered;
	s6 =	simm.s32 $_tile_overlayer_lowered  }
0x9b: {  	s7 =	simm.s32 $0x1BFF;
	s21 =	sshll.u32 s6, $0x1;
	s4 =	sadd.s32 s4, s20  }
0x9c: {  	s22 =	simm.s32 $0x0;
	s5 =	sshll.u32 s5, $0x1;
	s6 =	sadd.s32 s21, s4  }
0x9d: {  	[timem:s22], [sflag:s7] =	dma.local [hbm:s6], s5  }
0x9e: {  	_ =	swait.ge [sflag:s7], s5  }
0x9f: {  	s5 =	ssub.s32 $0x0, s5;
	[sflag:s7] =	ssyncset.done $0x0  }
0xa0: {  	[sflag:s7] =	ssyncadd.s32 s5;
	_ =	sdelay $0x1  }
0xa1: {  	s23 =	simm.s32 $0x1B8B  }
0xa2: {  	_ =	swait.ge [sflag:s23], $0x1  }
0xa3: {  	[sflag:s23] =	ssyncset.done $0x0  }
0xa4: {  	[sflag:s23] =	ssyncadd.s32 $0xFFFFFFFF  }
0xa5: {  	s5 =	sld [smem:$0x0]  }
0xa6: {  	s6 =	sand.u32 $0xFFFFFFFE, s1  }
0xa7: {  	p0 =	sne.s32 s1, s6  }
0xa8: {  	s6 =	sshll.u32 @p0 s6, $0xE  }
0xa9: {  	s6 =	sadd.s32 @p0 $0x11B8D, s6;
	s7 =	sshll.u32 @p0 s5, $0x11  }
0xaa: {  	s6 =	sor.u32 @p0 s7, s6  }
0xab: {  	[sflag:s6] =	ssyncadd.remote.s32 @p0 $0x1;
	_ =	sdelay $0x1  }
0xac: {  	s6 =	simm.s32 @p0 $0x1B8D  }
0xad: {  	_ =	swait.eq @p0 [sflag:s6], $0x1  }
0xae: {  	[sflag:s6] =	ssyncadd.s32 @p0 $0xFFFFFFFF  }
0xaf: {  	s7 =	sshll.u32 @!p0 s1, $0xE  }
0xb0: {  	s7 =	sor.u32 @!p0 $0x4000, s7;
	s6 =	simm.s32 @!p0 $0x1B8D  }
0xb1: {  	s5 =	sshll.u32 @!p0 s5, $0x11;
	s7 =	sadd.s32 @!p0 $0x11B8D, s7;
	_ =	swait.eq @!p0 [sflag:s6], $0x1  }
0xb2: {  	s5 =	sor.u32 @!p0 s5, s7;
	[sflag:s6] =	ssyncadd.s32 @!p0 $0xFFFFFFFF  }
0xb3: {  	s25 =	simm.s32 $0x1B8E;
	s24 =	sld [smem:$0x3FFE];
	[sflag:s5] =	ssyncadd.remote.s32 @!p0 $0x1  }
0xb4: {  	s26 =	simm.s32 $execute0_lowered;
	[smem:$0x3FD2] =	sst s25  }
0xb5: {  	s6 =	sshll.u32 s26, $0x1;
	_ =	strace $0x80000049;
	[dreg:$0x1] =	wrdreg $0xFFFFFFFF  }
0xb6: {  	s28 =	simm.s32 $_size_execute0_lowered;
	s4 =	sadd.s32 s4, s6;
	[dreg:$0x0] =	wrdreg $0x0  }
0xb7: {  	s6 =	sshll.u32 s28, $0x1;
	[dreg:$0x2] =	wrdreg s4  }
0xb8: {  	[dreg:$0x3] =	wrdreg s6  }
0xb9: {  	[dreg:$0x4] =	wrdreg $0xC0  }
0xba: {  	_ =	task [dreg:s22], $0x5FFFF  }
0xbb: {  	[dreg:$0x1] =	wrdreg $0xFFFFFFFF  }
0xbc: {  	[dreg:$0x0] =	wrdreg $0x60  }
0xbd: {  	[dreg:$0x2] =	wrdreg s18  }
0xbe: {  	[dreg:$0x3] =	wrdreg s24  }
0xbf: {  	[dreg:$0x4] =	wrdreg $0x9  }
0xc0: {  	_ =	task.clear_ibuf [dreg:s22], $0x5FFFF;
	_ =	strace $0x90000049  }
0xc1: {  	s29 =	simm.s32 $0x9;
	_ =	strace $0x8000004B  }
0xc2: {  	_ =	swait.ge [sflag:s29], $0x1  }
0xc3: {  	[sflag:s29] =	ssyncadd.s32 $0xFFFFFFFF  }
0xc4: {  	_ =	strace $0x9000004B  }
0xc5: {  	_ =	sfence  }
0xc6: {  	s30 =	sld [smem:$0x0];
	_ =	sdelay $0x2  }
0xc7: {  	s31 =	sshll.u32 s1, $0xD;
	s1 =	sshrl.u32 s1, $0x2  }
0xc8: {  	s4 =	sand.u32 $0x4000, s31;
	s1 =	sadd.s32 s1, s30  }
0xc9: {  	s0 =	sor.u32 s4, s0;
	s1 =	sshll.u32 s1, $0x11  }
0xca: {  	s0 =	sor.u32 s1, s0  }
0xcb: {  	s0 =	sadd.s32 $0x8F2B, s0  }
0xcc: {  	[sflag:s0] =	ssyncadd.remote.s32 $0x1  }
0xcd: {  	_ =	sfence.sel $0xFFFF  }
0xce: {  	[dreg:$0x0] =	wrdreg $0xFFFFFFFF;
	(pc) =	sbr.abs _section_cstart, $3  }
0xcf: {  	[dreg:$0x1] =	wrdreg $0xFFFFFFFF  }
0xd0: {  	_ =	task.clear_ibuf [dreg:s22], $0x2FFFF;
	_ =	strace $0x9FFFFFFF  }
0xd1: {  	(tm) =	ssettm $0x7FFFFFFF  }
tec
execute0_lowered:
.L_overlay_start_1:
0x0: {  	(tag) =	ssettag $0x1  }
0x1: {  	s1 =	srdreg.scid;
	s2 =	rddreg [dreg:$0x0]  }
0x2: {  	s0 =	stileid.u32;
	s5 =	rddreg [dreg:$0x1]  }
0x3: {  	s3 =	simm.s32 $0x0;
	s10 =	simm.s32 $0x3B00;
	s12 =	simm.s32 $0x6300  }
0x4: {  	s13 =	simm.s32 $0xF0;
	s14 =	simm.s32 $0x8B00;
	s15 =	simm.s32 $0x140  }
0x5: {  	s16 =	simm.s32 $0xB300;
	s17 =	simm.s32 $0x1;
	s18 =	simm.s32 $0x6  }
0x6: {  	s19 =	simm.s32 $0x2;
	s20 =	simm.s32 $0x7;
	s21 =	simm.s32 $0x3  }
0x7: {  	s22 =	simm.s32 $0x8;
	s23 =	simm.s32 $0x4;
	s24 =	simm.s32 $0x9  }
0x8: {  	s25 =	simm.s32 $0x5;
	s26 =	simm.s32 $0xA;
	s4 =	sand.u32 $0x1, s1  }
0x9: {  	s30 =	sshll.u32 s0, $0x1;
	s7 =	smul.u32 $0x25800, s0;
	[smem:$0x7FF] =	sst s3  }
0xa: {  	s1 =	sor.u32 s4, s30;
	s8 =	ssub.s32 $0x2, s4;
	s4 =	smul.u32 $0x12C00, s4  }
.Ltmp0:
0xb: {  	s28 =	simm.s32 $0x0;
	_ =	strace $0x8000004A;
	(pc) =	sbr.rel .LBB2_1-.Ltmp0, $4  }
0xc: {  	s6 =	smul.u32 $0x258, s1;
	s7 =	sadd.s32 s7, s5;
	s9 =	sshrl.u32 s8, $0x1  }
0xd: {  	s31 =	ssub.s32 s8, s9;
	s7 =	sadd.s32 s4, s7;
	s8 =	simm.s32 $0x50  }
0xe: {  	s9 =	simm.s32 $0x1300;
	s5 =	sadd.s32 s6, s5;
	s6 =	sadd.s32 $0x294600, s7  }
0xf: {  	s7 =	simm.s32 $0xB;
	s4 =	sadd.s32 $0x28E600, s5;
	s5 =	smax.u32 s31, $0x1  }
.LBB2_4:
0x10: {  	s28 =	sadd.s32 $0x1, s28  }
0x11: {  	p0 =	sne.s32 s28, s5  }
.Ltmp1:
0x12: {  	_ = 	snop;
	(pc) =	sbr.rel @!p0 .LBB2_5-.Ltmp1, $1  }
0x13: {  	_ =	sdelay $0x3  }
.LBB2_1:
0x14: {  	[tilespmem:s3], [sflag:$0xB] =	stream.linear.gather [hbm4b:s4+s3], $0x12C0, $0x38;
	[tilespmem:$0xDB00] =	vst v63  }
0x15: {  	_ =	swait.ge [sflag:s7], $0x12C0  }
0x16: {  	[sflag:s7] =	ssyncset.done $0x0  }
0x17: {  	[sflag:s7] =	ssyncadd.s32 $0xFFFFED40  }
0x18: {  	[tilespmem:s9], [sflag:$0x1] =	stream.indirect.gather [hbm4b:s2+s8], $0x80, s3, s8, $0xb8;
	[tilespmem:$0xDB00] =	vst v63  }
0x19: {  	_ = 	snop  }
0x1a: {  	[tilespmem:s10], [sflag:$0x2] =	stream.indirect.gather [hbm4b:s2+s8], $0x80, s8, s8, $0xb8;
	[tilespmem:$0xDB00] =	vst v63  }
0x1b: {  	s0 =	simm.s32 $0xA0  }
0x1c: {  	[tilespmem:s12], [sflag:$0x3] =	stream.indirect.gather [hbm4b:s2+s8], $0x80, s0, s8, $0xb8;
	[tilespmem:$0xDB00] =	vst v63  }
0x1d: {  	_ = 	snop  }
0x1e: {  	[tilespmem:s14], [sflag:$0x4] =	stream.indirect.gather [hbm4b:s2+s8], $0x80, s13, s8, $0xb8;
	[tilespmem:$0xDB00] =	vst v63  }
0x1f: {  	s29 =	smov.u32 s6;
	s30 =	simm.s32 $0x0  }
0x20: {  	[tilespmem:s16], [sflag:$0x5] =	stream.indirect.gather [hbm4b:s2+s8], $0x80, s15, s8, $0xb8;
	[tilespmem:$0xDB00] =	vst v63  }
.LBB2_2:
0x21: {  	_ =	swait.ge [sflag:s17], $0x2800  }
0x22: {  	[sflag:s17] =	ssyncset.done $0x0  }
0x23: {  	s31 =	sadd.s32 $0xFFFFEC00, s29;
	[sflag:s17] =	ssyncadd.s32 $0xFFFFD800  }
0x24: {  	[hbm4b:s31+s3] =	stream.linear.scatter [tilespmem:s9], [sflag:$0x6], $0x2800, $0x38;
	[tilespmem:$0xDB00] =	vst v63  }
0x25: {  	p0 =	seq.s32 s30, $0x44C0;
	_ =	swait.ge [sflag:s18], $0x2800  }
0x26: {  	s0 =	simm.s32 @!p0 $0x50;
	s31 =	sshra.s32 @!p0 s30, $0x2;
	[sflag:s18] =	ssyncset.done $0x0  }
0x27: {  	s11 =	simm.s32 @!p0 $0x1300;
	s1 =	sadd.s32 @!p0 $0x190, s31;
	[sflag:s18] =	ssyncadd.s32 $0xFFFFD800  }
0x28: {  	[tilespmem:s11], [sflag:$0x1] =	stream.indirect.gather @!p0 [hbm4b:s2+s0], $0x80, s1, s0, $0xb8;
	[tilespmem:$0xDB00] =	vst v63  }
0x29: {  	_ =	swait.ge [sflag:s19], $0x2800  }
0x2a: {  	[sflag:s19] =	ssyncset.done $0x0  }
0x2b: {  	s11 =	sadd.s32 $0xFFFFF100, s29;
	[sflag:s19] =	ssyncadd.s32 $0xFFFFD800  }
0x2c: {  	[hbm4b:s11+s3] =	stream.linear.scatter [tilespmem:s10], [sflag:$0x7], $0x2800, $0x38;
	[tilespmem:$0xDB00] =	vst v63  }
0x2d: {  	_ =	swait.ge [sflag:s20], $0x2800  }
0x2e: {  	[sflag:s20] =	ssyncset.done $0x0  }
0x2f: {  	s1 =	sadd.s32 @!p0 $0x1E0, s31;
	s11 =	simm.s32 @!p0 $0x3B00;
	[sflag:s20] =	ssyncadd.s32 $0xFFFFD800  }
0x30: {  	[tilespmem:s11], [sflag:$0x2] =	stream.indirect.gather @!p0 [hbm4b:s2+s0], $0x80, s1, s0, $0xb8;
	[tilespmem:$0xDB00] =	vst v63  }
0x31: {  	_ =	swait.ge [sflag:s21], $0x2800  }
0x32: {  	[sflag:s21] =	ssyncset.done $0x0  }
0x33: {  	s11 =	sadd.s32 $0xFFFFF600, s29;
	[sflag:s21] =	ssyncadd.s32 $0xFFFFD800  }
0x34: {  	[hbm4b:s11+s3] =	stream.linear.scatter [tilespmem:s12], [sflag:$0x8], $0x2800, $0x38;
	[tilespmem:$0xDB00] =	vst v63  }
0x35: {  	_ =	swait.ge [sflag:s22], $0x2800  }
0x36: {  	[sflag:s22] =	ssyncset.done $0x0  }
0x37: {  	s1 =	sadd.s32 @!p0 $0x230, s31;
	s11 =	simm.s32 @!p0 $0x6300;
	[sflag:s22] =	ssyncadd.s32 $0xFFFFD800  }
0x38: {  	[tilespmem:s11], [sflag:$0x3] =	stream.indirect.gather @!p0 [hbm4b:s2+s0], $0x80, s1, s0, $0xb8;
	[tilespmem:$0xDB00] =	vst v63  }
0x39: {  	_ =	swait.ge [sflag:s23], $0x2800  }
0x3a: {  	[sflag:s23] =	ssyncset.done $0x0  }
0x3b: {  	s11 =	sadd.s32 $0xFFFFFB00, s29;
	[sflag:s23] =	ssyncadd.s32 $0xFFFFD800  }
0x3c: {  	[hbm4b:s11+s3] =	stream.linear.scatter [tilespmem:s14], [sflag:$0x9], $0x2800, $0x38;
	[tilespmem:$0xDB00] =	vst v63  }
0x3d: {  	_ =	swait.ge [sflag:s24], $0x2800  }
0x3e: {  	[sflag:s24] =	ssyncset.done $0x0  }
0x3f: {  	s1 =	sadd.s32 @!p0 $0x280, s31;
	s11 =	simm.s32 @!p0 $0x8B00;
	[sflag:s24] =	ssyncadd.s32 $0xFFFFD800  }
0x40: {  	[tilespmem:s11], [sflag:$0x4] =	stream.indirect.gather @!p0 [hbm4b:s2+s0], $0x80, s1, s0, $0xb8;
	[tilespmem:$0xDB00] =	vst v63  }
0x41: {  	_ =	swait.ge [sflag:s25], $0x2800  }
0x42: {  	[sflag:s25] =	ssyncset.done $0x0  }
.Ltmp2:
0x43: {  	[sflag:s25] =	ssyncadd.s32 $0xFFFFD800;
	(pc) =	sbr.rel @p0 .LBB2_4-.Ltmp2, $4  }
0x44: {  	[hbm4b:s29+s3] =	stream.linear.scatter [tilespmem:s16], [sflag:$0xA], $0x2800, $0x38;
	[tilespmem:$0xDB00] =	vst v63  }
0x45: {  	_ =	swait.ge [sflag:s26], $0x2800  }
0x46: {  	[sflag:s26] =	ssyncset.done $0x0  }
0x47: {  	[sflag:s26] =	ssyncadd.s32 $0xFFFFD800  }
.Ltmp3:
0x48: {  	(pc) =	sbr.rel .LBB2_2-.Ltmp3, $4  }
0x49: {  	_ = 	snop  }
0x4a: {  	s0 =	sshra.s32 s30, $0x2  }
0x4b: {  	s30 =	sadd.s32 $0x640, s30;
	s29 =	sadd.s32 $0x1900, s29;
	s0 =	sadd.s32 $0x2D0, s0  }
0x4c: {  	[tilespmem:s16], [sflag:$0x5] =	stream.indirect.gather [hbm4b:s2+s8], $0x80, s0, s8, $0xb8;
	[tilespmem:$0xDB00] =	vst v63  }
.LBB2_5:
0x4d: {  	_ =	sfence.sel $0x180000  }
0x4e: {  	[bflag:$0x0] =	sbarrier.arrive $0xFFFF  }
0x4f: {  	_ =	strace $0x9000004A  }
0x50: {  	s0 =	stileid.u32;
	[bflag:$0x2] =	sbarrier.arrive $0xFFFF  }
0x51: {  	p0 =	sne.s32 s0, $0x0;
	s0 =	rddreg [dreg:$0x2]  }
0x52: {  	s0 =	sadd.s32 @!p0 $0x100000, s0  }
0x53: {  	[sflag:s0] =	ssyncadd.tile.s32 @!p0 $0x1;
	_ =	shalt  }
.Lfunc_end2:
_tile_overlayer_lowered:
.L_overlay_start_2:
0x54: {  	(tag) =	ssettag $0x2  }
0x55: {  	s0 =	rddreg [dreg:$0x0];
	s2 =	stileid.u32  }
0x56: {  	s1 =	rddreg [dreg:$0x1];
	p0 =	sne.s32 s2, $0x0  }
0x57: {  	s3 =	rddreg [dreg:$0x2];
	[bflag:$0x3] =	sbarrier.arrive $0xFFFF;
	s2 =	simm.s32 @!p0 $0x1C0B  }
0x58: {  	[timem:s3], [sflag:s2] =	dma.local @!p0 [hbm:s0], s1  }
0x59: {  	s0 =	simm.s32 @!p0 $0xB  }
0x5a: {  	_ =	swait.ge @!p0 [sflag:s0], s1  }
0x5b: {  	s1 =	ssub.s32 @!p0 $0x0, s1;
	[sflag:s0] =	ssyncset.done @!p0 $0x0  }
0x5c: {  	[sflag:s0] =	ssyncadd.s32 @!p0 s1  }
0x5d: {  	[bflag:$0x3] =	sbarrier.arrive $0xFFFF  }
0x5e: {  	_ =	shalt  }

</sc_bundles>
